<compile_context>
chip_gen: v7x
topology: tpu7x:2x2x1
jax: 0.10.2.dev20260603
libtpu: 0.0.44.dev20260713+nightly
codegen_flags: <defaults>
</compile_context>

<pallas_src>
import functools

import jax
import jax.numpy as jnp
from jax import lax
from jax.experimental import pallas as pl
from jax.experimental.pallas import tpu as pltpu
from jax.experimental.pallas import tpu_sc as plsc

_N_SPECIAL = 8
_PAD_IDX = _N_SPECIAL

_NC = 2
_NS = 16
_NW = _NC * _NS
_L = 16


@functools.lru_cache(maxsize=None)
def _build(bsz: int, seq: int, d: int, n_vocab: int):
    dp = -(-d // _L) * _L + 1
    tab_words = -(-n_vocab * dp // _L) * _L
    assert bsz % (_NW * _L) == 0 and seq % 2 == 0
    b_per_w = bsz // _NW
    n_grp = b_per_w // _L
    mesh = plsc.VectorSubcoreMesh(core_axis_name="c", subcore_axis_name="s")

    @functools.partial(
        pl.kernel,
        mesh=mesh,
        out_type=jax.ShapeDtypeStruct((seq, d, bsz), jnp.float32),
        scratch_types=[
            pltpu.VMEM((b_per_w * seq,), jnp.int32),
            pltpu.VMEM((tab_words,), jnp.float32),
            pltpu.VMEM((2, -(-d // 8) * 8, b_per_w), jnp.float32),
            pltpu.SemaphoreType.DMA,
            pltpu.SemaphoreType.DMA,
        ],
        compiler_params=pltpu.CompilerParams(
            use_tc_tiling_on_sc=True, needs_layout_passes=False),
    )
    def emb(idx_hbm, tab_hbm, out_hbm, idx_v, tab_v, pack_v, osem0, osem1):
        wid = lax.axis_index("s") * _NC + lax.axis_index("c")
        base = wid * b_per_w
        pltpu.sync_copy(idx_hbm.at[pl.ds(base * seq, b_per_w * seq)], idx_v)
        pltpu.sync_copy(tab_hbm, tab_v)

        zeros = jnp.zeros((_L,), jnp.float32)
        iota = lax.iota(jnp.int32, _L)
        for r in (0, _PAD_IDX):
            for k in range(-(-d // _L)):
                plsc.store_scatter(
                    tab_v, [r * dp + k * _L + iota], zeros)
        osems = (osem0, osem1)

        def outer(ll, carry):
            for b in range(2):
                l = ll * 2 + b

                @pl.when(ll > 0)
                def _drain():
                    pltpu.make_async_copy(
                        pack_v.at[b].at[pl.ds(0, d)],
                        out_hbm.at[0].at[:, pl.ds(0, b_per_w)],
                        osems[b],
                    ).wait()

                srcbs = []
                for g in range(n_grp):
                    vidx = plsc.load_gather(
                        idx_v, [(g * _L + iota) * seq + l])
                    srcbs.append(vidx * dp)

                @plsc.parallel_loop(0, d, unroll=8)
                def _col(c):
                    for g in range(n_grp):
                        v = plsc.load_gather(tab_v, [srcbs[g] + c])
                        pack_v[b, c, pl.ds(g * _L, _L)] = v

                pltpu.async_copy(
                    pack_v.at[b].at[pl.ds(0, d)],
                    out_hbm.at[l].at[:, pl.ds(base, b_per_w)],
                    osems[b],
                )
            return carry

        lax.fori_loop(0, seq // 2, outer, 0)
        for b in range(2):
            pltpu.make_async_copy(
                pack_v.at[b].at[pl.ds(0, d)],
                out_hbm.at[0].at[:, pl.ds(0, b_per_w)],
                osems[b],
            ).wait()

    return emb


def kernel(inputs, embs_weight):
    bsz, seq = inputs.shape
    n_vocab, d = embs_weight.shape
    dp = -(-d // _L) * _L + 1
    tab_words = -(-n_vocab * dp // _L) * _L
    tab_flat = jnp.pad(embs_weight, ((0, 0), (0, dp - d))).reshape(-1)
    tab_flat = jnp.pad(tab_flat, (0, tab_words - n_vocab * dp))
    out = _build(bsz, seq, d, n_vocab)(inputs.reshape(-1), tab_flat)
    return jnp.transpose(out, (2, 0, 1))

# --- scband reference (transcript-rebuilt; emitter-appended) ---
"""Pipeline reference for scband-network-69595650064964 (READ-ONLY COPY).

The authoritative reference and input builder live on the scoring server;
editing this copy changes nothing except your own understanding.
"""

import jax, jax.numpy as jnp
import numpy as np

N_SPECIAL = 8  # len(learnperm.special_tokens.Dict()) assumed 8
SIZE = 300
PAD_IDX = N_SPECIAL  # padding_idx = len(dict)


def setup_inputs(seed: int = 0) -> dict:
    key = jax.random.key(seed)
    k1, k2 = jax.random.split(key)
    inputs = jax.random.randint(k1, (4096, 50), 0, N_SPECIAL + 1, dtype=jnp.int64 if jax.config.jax_enable_x64 else jnp.int32)
    inputs = inputs.astype(jnp.int32)
    # embedding table: (len(dict)+1, size), padding row zeroed like nn.Embedding(padding_idx=...)
    embs_weight = jax.random.normal(k2, (N_SPECIAL + 1, SIZE), dtype=jnp.float32)
    embs_weight = embs_weight.at[PAD_IDX].set(0.0)
    return {"inputs": inputs, "embs_weight": embs_weight}


def reference(inputs, embs_weight):
    # values = self.embs(inputs)
    values = jnp.take(embs_weight, inputs, axis=0)  # [B, L, 300]
    # padding_mask = (inputs != len(self.dict)).float().unsqueeze(-1).expand(B, L, 300)
    padding_mask = (inputs != PAD_IDX).astype(jnp.float32)[..., None]
    values = values * padding_mask
    # special_words_mask = (inputs != 0.0).float().unsqueeze(-1).expand(B, L, 300)
    special_words_mask = (inputs != 0).astype(jnp.float32)[..., None]
    return values * special_words_mask

if __name__ == "__main__":
    import jax
    _d = setup_inputs()
    print(jax.jit(kernel)(*tuple(_d.values())))

</pallas_src>

<mosaic_0001>
#map = affine_map<(d0, d1) -> (0)>
#map1 = affine_map<(d0, d1) -> (0, 0, 0)>
module attributes {stable_mosaic.version = 14 : i64} {
  func.func @emb(%arg0: i32, %arg1: i32, %arg2: memref<204800xi32, #tpu.memory_space<hbm>>, %arg3: memref<2752xf32, #tpu.memory_space<hbm>>, %arg4: memref<50x300x4096xf32, #tpu.memory_space<hbm>>, %arg5: memref<6400xi32, #tpu.memory_space<vmem>>, %arg6: memref<2752xf32, #tpu.memory_space<vmem>>, %arg7: memref<2x304x128xf32, #tpu.memory_space<vmem>>, %arg8: memref<!tpu.dma_semaphore, #tpu.memory_space<semaphore_mem>>, %arg9: memref<!tpu.dma_semaphore, #tpu.memory_space<semaphore_mem>>) attributes {dimension_semantics = [#tpu.dimension_semantics<core_parallel>, #tpu.dimension_semantics<subcore_parallel>], iteration_bounds = array<i64: 2, 16>, scalar_prefetch = 0 : i64, scratch_operands = 5 : i64, tpu.core_type = #tpu.core_type<sc_vector_subcore>, window_params = [{transform_indices = #map}, {transform_indices = #map}, {transform_indices = #map1}]} {
    %mul3A = arith.constant 2 : i32
    %mul3A_0 = arith.muli %arg1, %mul3A : i32
    %add3A = arith.addi %mul3A_0, %arg0 : i32
    %mul3A_1 = arith.constant 128 : i32
    %mul3A_2 = arith.muli %add3A, %mul3A_1 : i32
    %mul3A_3 = arith.constant 50 : i32
    %mul3A_4 = arith.muli %mul3A_2, %mul3A_3 : i32
    "tpu.region"() ({
      %run_scoped3A = tpu.sem_alloc : memref<!tpu.dma_semaphore, #tpu.memory_space<semaphore_mem>>
      %dma_start3A = tpu.memref_slice %arg2[%mul3A_4] : memref<204800xi32, #tpu.memory_space<hbm>> -> memref<6400xi32, #tpu.memory_space<hbm>>
      %dma_start3A_184 = tpu.memref_slice %arg2[%mul3A_4] : memref<204800xi32, #tpu.memory_space<hbm>> -> memref<6400xi32, #tpu.memory_space<hbm>>
      tpu.enqueue_dma source(%dma_start3A_184 : memref<6400xi32, #tpu.memory_space<hbm>>) target(%arg5 : memref<6400xi32, #tpu.memory_space<vmem>>) target_semaphore(%run_scoped3A : memref<!tpu.dma_semaphore, #tpu.memory_space<semaphore_mem>>)
      %dma_wait3A_185 = tpu.memref_slice %arg2[%mul3A_4] : memref<204800xi32, #tpu.memory_space<hbm>> -> memref<6400xi32, #tpu.memory_space<hbm>>
      %dma_wait3A_186 = tpu.memref_slice %arg2[%mul3A_4] : memref<204800xi32, #tpu.memory_space<hbm>> -> memref<6400xi32, #tpu.memory_space<hbm>>
      tpu.wait_dma2 semaphore(%run_scoped3A : memref<!tpu.dma_semaphore, #tpu.memory_space<semaphore_mem>>) src(%dma_wait3A_186 : memref<6400xi32, #tpu.memory_space<hbm>>) dst(%arg5 : memref<6400xi32, #tpu.memory_space<vmem>>)
      tpu.yield
    }) : () -> ()
    "tpu.region"() ({
      %run_scoped3A = tpu.sem_alloc : memref<!tpu.dma_semaphore, #tpu.memory_space<semaphore_mem>>
      tpu.enqueue_dma source(%arg3 : memref<2752xf32, #tpu.memory_space<hbm>>) target(%arg6 : memref<2752xf32, #tpu.memory_space<vmem>>) target_semaphore(%run_scoped3A : memref<!tpu.dma_semaphore, #tpu.memory_space<semaphore_mem>>)
      tpu.wait_dma2 semaphore(%run_scoped3A : memref<!tpu.dma_semaphore, #tpu.memory_space<semaphore_mem>>) src(%arg3 : memref<2752xf32, #tpu.memory_space<hbm>>) dst(%arg6 : memref<2752xf32, #tpu.memory_space<vmem>>)
      tpu.yield
    }) : () -> ()
    %broadcast_in_dim3A = arith.constant 0.000000e+00 : f32
    %broadcast_in_dim3A_5 = vector.broadcast %broadcast_in_dim3A : f32 to vector<16xf32>
    %iota3A = tpu.iota {dimensions = array<i32: 0>} : vector<16xi32>
    %add3A_6 = arith.constant 0 : i32
    %add3A_7 = vector.broadcast %add3A_6 : i32 to vector<16xi32>
    %add3A_8 = arith.addi %add3A_7, %iota3A : vector<16xi32>
    tpu.vector_store_idx %arg6[%add3A_8], %broadcast_in_dim3A_5 : memref<2752xf32, #tpu.memory_space<vmem>>[vector<16xi32>], vector<16xf32>,
    %add3A_9 = arith.constant 16 : i32
    %add3A_10 = vector.broadcast %add3A_9 : i32 to vector<16xi32>
    %add3A_11 = arith.addi %add3A_10, %iota3A : vector<16xi32>
    tpu.vector_store_idx %arg6[%add3A_11], %broadcast_in_dim3A_5 : memref<2752xf32, #tpu.memory_space<vmem>>[vector<16xi32>], vector<16xf32>,
    %add3A_12 = arith.constant 32 : i32
    %add3A_13 = vector.broadcast %add3A_12 : i32 to vector<16xi32>
    %add3A_14 = arith.addi %add3A_13, %iota3A : vector<16xi32>
    tpu.vector_store_idx %arg6[%add3A_14], %broadcast_in_dim3A_5 : memref<2752xf32, #tpu.memory_space<vmem>>[vector<16xi32>], vector<16xf32>,
    %add3A_15 = arith.constant 48 : i32
    %add3A_16 = vector.broadcast %add3A_15 : i32 to vector<16xi32>
    %add3A_17 = arith.addi %add3A_16, %iota3A : vector<16xi32>
    tpu.vector_store_idx %arg6[%add3A_17], %broadcast_in_dim3A_5 : memref<2752xf32, #tpu.memory_space<vmem>>[vector<16xi32>], vector<16xf32>,
    %add3A_18 = arith.constant 64 : i32
    %add3A_19 = vector.broadcast %add3A_18 : i32 to vector<16xi32>
    %add3A_20 = arith.addi %add3A_19, %iota3A : vector<16xi32>
    tpu.vector_store_idx %arg6[%add3A_20], %broadcast_in_dim3A_5 : memref<2752xf32, #tpu.memory_space<vmem>>[vector<16xi32>], vector<16xf32>,
    %add3A_21 = arith.constant 80 : i32
    %add3A_22 = vector.broadcast %add3A_21 : i32 to vector<16xi32>
    %add3A_23 = arith.addi %add3A_22, %iota3A : vector<16xi32>
    tpu.vector_store_idx %arg6[%add3A_23], %broadcast_in_dim3A_5 : memref<2752xf32, #tpu.memory_space<vmem>>[vector<16xi32>], vector<16xf32>,
    %add3A_24 = arith.constant 96 : i32
    %add3A_25 = vector.broadcast %add3A_24 : i32 to vector<16xi32>
    %add3A_26 = arith.addi %add3A_25, %iota3A : vector<16xi32>
    tpu.vector_store_idx %arg6[%add3A_26], %broadcast_in_dim3A_5 : memref<2752xf32, #tpu.memory_space<vmem>>[vector<16xi32>], vector<16xf32>,
    %add3A_27 = arith.constant 112 : i32
    %add3A_28 = vector.broadcast %add3A_27 : i32 to vector<16xi32>
    %add3A_29 = arith.addi %add3A_28, %iota3A : vector<16xi32>
    tpu.vector_store_idx %arg6[%add3A_29], %broadcast_in_dim3A_5 : memref<2752xf32, #tpu.memory_space<vmem>>[vector<16xi32>], vector<16xf32>,
    %add3A_30 = arith.constant 128 : i32
    %add3A_31 = vector.broadcast %add3A_30 : i32 to vector<16xi32>
    %add3A_32 = arith.addi %add3A_31, %iota3A : vector<16xi32>
    tpu.vector_store_idx %arg6[%add3A_32], %broadcast_in_dim3A_5 : memref<2752xf32, #tpu.memory_space<vmem>>[vector<16xi32>], vector<16xf32>,
    %add3A_33 = arith.constant 144 : i32
    %add3A_34 = vector.broadcast %add3A_33 : i32 to vector<16xi32>
    %add3A_35 = arith.addi %add3A_34, %iota3A : vector<16xi32>
    tpu.vector_store_idx %arg6[%add3A_35], %broadcast_in_dim3A_5 : memref<2752xf32, #tpu.memory_space<vmem>>[vector<16xi32>], vector<16xf32>,
    %add3A_36 = arith.constant 160 : i32
    %add3A_37 = vector.broadcast %add3A_36 : i32 to vector<16xi32>
    %add3A_38 = arith.addi %add3A_37, %iota3A : vector<16xi32>
    tpu.vector_store_idx %arg6[%add3A_38], %broadcast_in_dim3A_5 : memref<2752xf32, #tpu.memory_space<vmem>>[vector<16xi32>], vector<16xf32>,
    %add3A_39 = arith.constant 176 : i32
    %add3A_40 = vector.broadcast %add3A_39 : i32 to vector<16xi32>
    %add3A_41 = arith.addi %add3A_40, %iota3A : vector<16xi32>
    tpu.vector_store_idx %arg6[%add3A_41], %broadcast_in_dim3A_5 : memref<2752xf32, #tpu.memory_space<vmem>>[vector<16xi32>], vector<16xf32>,
    %add3A_42 = arith.constant 192 : i32
    %add3A_43 = vector.broadcast %add3A_42 : i32 to vector<16xi32>
    %add3A_44 = arith.addi %add3A_43, %iota3A : vector<16xi32>
    tpu.vector_store_idx %arg6[%add3A_44], %broadcast_in_dim3A_5 : memref<2752xf32, #tpu.memory_space<vmem>>[vector<16xi32>], vector<16xf32>,
    %add3A_45 = arith.constant 208 : i32
    %add3A_46 = vector.broadcast %add3A_45 : i32 to vector<16xi32>
    %add3A_47 = arith.addi %add3A_46, %iota3A : vector<16xi32>
    tpu.vector_store_idx %arg6[%add3A_47], %broadcast_in_dim3A_5 : memref<2752xf32, #tpu.memory_space<vmem>>[vector<16xi32>], vector<16xf32>,
    %add3A_48 = arith.constant 224 : i32
    %add3A_49 = vector.broadcast %add3A_48 : i32 to vector<16xi32>
    %add3A_50 = arith.addi %add3A_49, %iota3A : vector<16xi32>
    tpu.vector_store_idx %arg6[%add3A_50], %broadcast_in_dim3A_5 : memref<2752xf32, #tpu.memory_space<vmem>>[vector<16xi32>], vector<16xf32>,
    %add3A_51 = arith.constant 240 : i32
    %add3A_52 = vector.broadcast %add3A_51 : i32 to vector<16xi32>
    %add3A_53 = arith.addi %add3A_52, %iota3A : vector<16xi32>
    tpu.vector_store_idx %arg6[%add3A_53], %broadcast_in_dim3A_5 : memref<2752xf32, #tpu.memory_space<vmem>>[vector<16xi32>], vector<16xf32>,
    %add3A_54 = arith.constant 256 : i32
    %add3A_55 = vector.broadcast %add3A_54 : i32 to vector<16xi32>
    %add3A_56 = arith.addi %add3A_55, %iota3A : vector<16xi32>
    tpu.vector_store_idx %arg6[%add3A_56], %broadcast_in_dim3A_5 : memref<2752xf32, #tpu.memory_space<vmem>>[vector<16xi32>], vector<16xf32>,
    %add3A_57 = arith.constant 272 : i32
    %add3A_58 = vector.broadcast %add3A_57 : i32 to vector<16xi32>
    %add3A_59 = arith.addi %add3A_58, %iota3A : vector<16xi32>
    tpu.vector_store_idx %arg6[%add3A_59], %broadcast_in_dim3A_5 : memref<2752xf32, #tpu.memory_space<vmem>>[vector<16xi32>], vector<16xf32>,
    %add3A_60 = arith.constant 288 : i32
    %add3A_61 = vector.broadcast %add3A_60 : i32 to vector<16xi32>
    %add3A_62 = arith.addi %add3A_61, %iota3A : vector<16xi32>
    tpu.vector_store_idx %arg6[%add3A_62], %broadcast_in_dim3A_5 : memref<2752xf32, #tpu.memory_space<vmem>>[vector<16xi32>], vector<16xf32>,
    %add3A_63 = arith.constant 2440 : i32
    %add3A_64 = vector.broadcast %add3A_63 : i32 to vector<16xi32>
    %add3A_65 = arith.addi %add3A_64, %iota3A : vector<16xi32>
    tpu.vector_store_idx %arg6[%add3A_65], %broadcast_in_dim3A_5 : memref<2752xf32, #tpu.memory_space<vmem>>[vector<16xi32>], vector<16xf32>,
    %add3A_66 = arith.constant 2456 : i32
    %add3A_67 = vector.broadcast %add3A_66 : i32 to vector<16xi32>
    %add3A_68 = arith.addi %add3A_67, %iota3A : vector<16xi32>
    tpu.vector_store_idx %arg6[%add3A_68], %broadcast_in_dim3A_5 : memref<2752xf32, #tpu.memory_space<vmem>>[vector<16xi32>], vector<16xf32>,
    %add3A_69 = arith.constant 2472 : i32
    %add3A_70 = vector.broadcast %add3A_69 : i32 to vector<16xi32>
    %add3A_71 = arith.addi %add3A_70, %iota3A : vector<16xi32>
    tpu.vector_store_idx %arg6[%add3A_71], %broadcast_in_dim3A_5 : memref<2752xf32, #tpu.memory_space<vmem>>[vector<16xi32>], vector<16xf32>,
    %add3A_72 = arith.constant 2488 : i32
    %add3A_73 = vector.broadcast %add3A_72 : i32 to vector<16xi32>
    %add3A_74 = arith.addi %add3A_73, %iota3A : vector<16xi32>
    tpu.vector_store_idx %arg6[%add3A_74], %broadcast_in_dim3A_5 : memref<2752xf32, #tpu.memory_space<vmem>>[vector<16xi32>], vector<16xf32>,
    %add3A_75 = arith.constant 2504 : i32
    %add3A_76 = vector.broadcast %add3A_75 : i32 to vector<16xi32>
    %add3A_77 = arith.addi %add3A_76, %iota3A : vector<16xi32>
    tpu.vector_store_idx %arg6[%add3A_77], %broadcast_in_dim3A_5 : memref<2752xf32, #tpu.memory_space<vmem>>[vector<16xi32>], vector<16xf32>,
    %add3A_78 = arith.constant 2520 : i32
    %add3A_79 = vector.broadcast %add3A_78 : i32 to vector<16xi32>
    %add3A_80 = arith.addi %add3A_79, %iota3A : vector<16xi32>
    tpu.vector_store_idx %arg6[%add3A_80], %broadcast_in_dim3A_5 : memref<2752xf32, #tpu.memory_space<vmem>>[vector<16xi32>], vector<16xf32>,
    %add3A_81 = arith.constant 2536 : i32
    %add3A_82 = vector.broadcast %add3A_81 : i32 to vector<16xi32>
    %add3A_83 = arith.addi %add3A_82, %iota3A : vector<16xi32>
    tpu.vector_store_idx %arg6[%add3A_83], %broadcast_in_dim3A_5 : memref<2752xf32, #tpu.memory_space<vmem>>[vector<16xi32>], vector<16xf32>,
    %add3A_84 = arith.constant 2552 : i32
    %add3A_85 = vector.broadcast %add3A_84 : i32 to vector<16xi32>
    %add3A_86 = arith.addi %add3A_85, %iota3A : vector<16xi32>
    tpu.vector_store_idx %arg6[%add3A_86], %broadcast_in_dim3A_5 : memref<2752xf32, #tpu.memory_space<vmem>>[vector<16xi32>], vector<16xf32>,
    %add3A_87 = arith.constant 2568 : i32
    %add3A_88 = vector.broadcast %add3A_87 : i32 to vector<16xi32>
    %add3A_89 = arith.addi %add3A_88, %iota3A : vector<16xi32>
    tpu.vector_store_idx %arg6[%add3A_89], %broadcast_in_dim3A_5 : memref<2752xf32, #tpu.memory_space<vmem>>[vector<16xi32>], vector<16xf32>,
    %add3A_90 = arith.constant 2584 : i32
    %add3A_91 = vector.broadcast %add3A_90 : i32 to vector<16xi32>
    %add3A_92 = arith.addi %add3A_91, %iota3A : vector<16xi32>
    tpu.vector_store_idx %arg6[%add3A_92], %broadcast_in_dim3A_5 : memref<2752xf32, #tpu.memory_space<vmem>>[vector<16xi32>], vector<16xf32>,
    %add3A_93 = arith.constant 2600 : i32
    %add3A_94 = vector.broadcast %add3A_93 : i32 to vector<16xi32>
    %add3A_95 = arith.addi %add3A_94, %iota3A : vector<16xi32>
    tpu.vector_store_idx %arg6[%add3A_95], %broadcast_in_dim3A_5 : memref<2752xf32, #tpu.memory_space<vmem>>[vector<16xi32>], vector<16xf32>,
    %add3A_96 = arith.constant 2616 : i32
    %add3A_97 = vector.broadcast %add3A_96 : i32 to vector<16xi32>
    %add3A_98 = arith.addi %add3A_97, %iota3A : vector<16xi32>
    tpu.vector_store_idx %arg6[%add3A_98], %broadcast_in_dim3A_5 : memref<2752xf32, #tpu.memory_space<vmem>>[vector<16xi32>], vector<16xf32>,
    %add3A_99 = arith.constant 2632 : i32
    %add3A_100 = vector.broadcast %add3A_99 : i32 to vector<16xi32>
    %add3A_101 = arith.addi %add3A_100, %iota3A : vector<16xi32>
    tpu.vector_store_idx %arg6[%add3A_101], %broadcast_in_dim3A_5 : memref<2752xf32, #tpu.memory_space<vmem>>[vector<16xi32>], vector<16xf32>,
    %add3A_102 = arith.constant 2648 : i32
    %add3A_103 = vector.broadcast %add3A_102 : i32 to vector<16xi32>
    %add3A_104 = arith.addi %add3A_103, %iota3A : vector<16xi32>
    tpu.vector_store_idx %arg6[%add3A_104], %broadcast_in_dim3A_5 : memref<2752xf32, #tpu.memory_space<vmem>>[vector<16xi32>], vector<16xf32>,
    %add3A_105 = arith.constant 2664 : i32
    %add3A_106 = vector.broadcast %add3A_105 : i32 to vector<16xi32>
    %add3A_107 = arith.addi %add3A_106, %iota3A : vector<16xi32>
    tpu.vector_store_idx %arg6[%add3A_107], %broadcast_in_dim3A_5 : memref<2752xf32, #tpu.memory_space<vmem>>[vector<16xi32>], vector<16xf32>,
    %add3A_108 = arith.constant 2680 : i32
    %add3A_109 = vector.broadcast %add3A_108 : i32 to vector<16xi32>
    %add3A_110 = arith.addi %add3A_109, %iota3A : vector<16xi32>
    tpu.vector_store_idx %arg6[%add3A_110], %broadcast_in_dim3A_5 : memref<2752xf32, #tpu.memory_space<vmem>>[vector<16xi32>], vector<16xf32>,
    %add3A_111 = arith.constant 2696 : i32
    %add3A_112 = vector.broadcast %add3A_111 : i32 to vector<16xi32>
    %add3A_113 = arith.addi %add3A_112, %iota3A : vector<16xi32>
    tpu.vector_store_idx %arg6[%add3A_113], %broadcast_in_dim3A_5 : memref<2752xf32, #tpu.memory_space<vmem>>[vector<16xi32>], vector<16xf32>,
    %add3A_114 = arith.constant 2712 : i32
    %add3A_115 = vector.broadcast %add3A_114 : i32 to vector<16xi32>
    %add3A_116 = arith.addi %add3A_115, %iota3A : vector<16xi32>
    tpu.vector_store_idx %arg6[%add3A_116], %broadcast_in_dim3A_5 : memref<2752xf32, #tpu.memory_space<vmem>>[vector<16xi32>], vector<16xf32>,
    %add3A_117 = arith.constant 2728 : i32
    %add3A_118 = vector.broadcast %add3A_117 : i32 to vector<16xi32>
    %add3A_119 = arith.addi %add3A_118, %iota3A : vector<16xi32>
    tpu.vector_store_idx %arg6[%add3A_119], %broadcast_in_dim3A_5 : memref<2752xf32, #tpu.memory_space<vmem>>[vector<16xi32>], vector<16xf32>,
    %scan3A = arith.constant 0 : i32
    %scan3A_120 = arith.constant 0 : i32
    %scan3A_121 = arith.constant 25 : i32
    %scan3A_122 = arith.addi %scan3A_120, %scan3A_121 : i32
    %scan3A_123 = arith.constant 1 : i32
    scf.for %scan3A_184 = %scan3A_120 to %scan3A_122 step %scan3A_123  : i32 {
      %mul3A_185 = arith.constant 2 : i32
      %mul3A_186 = arith.muli %scan3A_184, %mul3A_185 : i32
      %add3A_187 = arith.constant 0 : i32
      %add3A_188 = arith.addi %mul3A_186, %add3A_187 : i32
      %gt3A = arith.constant 0 : i32
      %gt3A_189 = arith.cmpi sgt, %scan3A_184, %gt3A : i32
      %convert_element_type3A = arith.extui %gt3A_189 : i1 to i32
      %cond3A = arith.constant 0 : i32
      %cond3A_190 = arith.cmpi ne, %convert_element_type3A, %cond3A : i32
      scf.if %cond3A_190 {
        %dma_wait3A_449 = arith.constant 0 : i32
        %dma_wait3A_450 = arith.constant 0 : i32
        %dma_wait3A_451 = arith.constant 0 : i32
        %dma_wait3A_452 = arith.constant 0 : i32
        %dma_wait3A_453 = tpu.memref_slice %arg7[%dma_wait3A_449, %dma_wait3A_451, %dma_wait3A_452] : memref<2x304x128xf32, #tpu.memory_space<vmem>> -> memref<1x304x128xf32, #tpu.memory_space<vmem>>
        %dma_wait3A_454 = tpu.memref_squeeze %dma_wait3A_453 : memref<1x304x128xf32, #tpu.memory_space<vmem>> -> memref<304x128xf32, #tpu.memory_space<vmem>>
        %dma_wait3A_455 = arith.constant 0 : i32
        %dma_wait3A_456 = arith.constant 0 : i32
        %dma_wait3A_457 = tpu.memref_slice %dma_wait3A_454[%dma_wait3A_455, %dma_wait3A_456] : memref<304x128xf32, #tpu.memory_space<vmem>> -> memref<300x128xf32, #tpu.memory_space<vmem>>
        %dma_wait3A_458 = arith.constant 0 : i32
        %dma_wait3A_459 = arith.constant 0 : i32
        %dma_wait3A_460 = tpu.memref_slice %arg4[%dma_wait3A_450, %dma_wait3A_458, %dma_wait3A_459] : memref<50x300x4096xf32, #tpu.memory_space<hbm>> -> memref<1x300x4096xf32, #tpu.memory_space<hbm>>
        %dma_wait3A_461 = tpu.memref_squeeze %dma_wait3A_460 : memref<1x300x4096xf32, #tpu.memory_space<hbm>> -> memref<300x4096xf32, #tpu.memory_space<hbm>>
        %dma_wait3A_462 = arith.constant 0 : i32
        %dma_wait3A_463 = arith.constant 0 : i32
        %dma_wait3A_464 = tpu.memref_slice %dma_wait3A_461[%dma_wait3A_462, %dma_wait3A_463] : memref<300x4096xf32, #tpu.memory_space<hbm>> -> memref<300x128xf32, #tpu.memory_space<hbm>>
        %dma_wait3A_465 = arith.constant 0 : i32
        %dma_wait3A_466 = arith.constant 0 : i32
        %dma_wait3A_467 = tpu.memref_slice %arg4[%dma_wait3A_450, %dma_wait3A_465, %dma_wait3A_466] : memref<50x300x4096xf32, #tpu.memory_space<hbm>> -> memref<1x300x4096xf32, #tpu.memory_space<hbm>>
        %dma_wait3A_468 = tpu.memref_squeeze %dma_wait3A_467 : memref<1x300x4096xf32, #tpu.memory_space<hbm>> -> memref<300x4096xf32, #tpu.memory_space<hbm>>
        %dma_wait3A_469 = arith.constant 0 : i32
        %dma_wait3A_470 = arith.constant 0 : i32
        %dma_wait3A_471 = tpu.memref_slice %dma_wait3A_468[%dma_wait3A_469, %dma_wait3A_470] : memref<300x4096xf32, #tpu.memory_space<hbm>> -> memref<300x128xf32, #tpu.memory_space<hbm>>
        %dma_wait3A_472 = arith.constant 0 : i32
        %dma_wait3A_473 = arith.constant 0 : i32
        %dma_wait3A_474 = tpu.memref_slice %arg7[%dma_wait3A_449, %dma_wait3A_472, %dma_wait3A_473] : memref<2x304x128xf32, #tpu.memory_space<vmem>> -> memref<1x304x128xf32, #tpu.memory_space<vmem>>
        %dma_wait3A_475 = tpu.memref_squeeze %dma_wait3A_474 : memref<1x304x128xf32, #tpu.memory_space<vmem>> -> memref<304x128xf32, #tpu.memory_space<vmem>>
        %dma_wait3A_476 = arith.constant 0 : i32
        %dma_wait3A_477 = arith.constant 0 : i32
        %dma_wait3A_478 = tpu.memref_slice %dma_wait3A_475[%dma_wait3A_476, %dma_wait3A_477] : memref<304x128xf32, #tpu.memory_space<vmem>> -> memref<300x128xf32, #tpu.memory_space<vmem>>
        tpu.wait_dma2 semaphore(%arg8 : memref<!tpu.dma_semaphore, #tpu.memory_space<semaphore_mem>>) src(%dma_wait3A_478 : memref<300x128xf32, #tpu.memory_space<vmem>>) dst(%dma_wait3A_471 : memref<300x128xf32, #tpu.memory_space<hbm>>)
      } else {
      }
      %add3A_191 = arith.constant 0 : i32
      %add3A_192 = vector.broadcast %add3A_191 : i32 to vector<16xi32>
      %add3A_193 = arith.addi %add3A_192, %iota3A : vector<16xi32>
      %mul3A_194 = arith.constant 50 : i32
      %mul3A_195 = vector.broadcast %mul3A_194 : i32 to vector<16xi32>
      %mul3A_196 = arith.muli %add3A_193, %mul3A_195 : vector<16xi32>
      %add3A_197 = vector.broadcast %add3A_188 : i32 to vector<16xi32>
      %add3A_198 = arith.addi %mul3A_196, %add3A_197 : vector<16xi32>
      %gather3A = tpu.vector_load_idx %arg5[%add3A_198] : memref<6400xi32, #tpu.memory_space<vmem>>[vector<16xi32>], vector<16xi32>,
      %mul3A_199 = arith.constant 305 : i32
      %mul3A_200 = vector.broadcast %mul3A_199 : i32 to vector<16xi32>
      %mul3A_201 = arith.muli %gather3A, %mul3A_200 : vector<16xi32>
      %add3A_202 = arith.constant 16 : i32
      %add3A_203 = vector.broadcast %add3A_202 : i32 to vector<16xi32>
      %add3A_204 = arith.addi %add3A_203, %iota3A : vector<16xi32>
      %mul3A_205 = arith.constant 50 : i32
      %mul3A_206 = vector.broadcast %mul3A_205 : i32 to vector<16xi32>
      %mul3A_207 = arith.muli %add3A_204, %mul3A_206 : vector<16xi32>
      %add3A_208 = vector.broadcast %add3A_188 : i32 to vector<16xi32>
      %add3A_209 = arith.addi %mul3A_207, %add3A_208 : vector<16xi32>
      %gather3A_210 = tpu.vector_load_idx %arg5[%add3A_209] : memref<6400xi32, #tpu.memory_space<vmem>>[vector<16xi32>], vector<16xi32>,
      %mul3A_211 = arith.constant 305 : i32
      %mul3A_212 = vector.broadcast %mul3A_211 : i32 to vector<16xi32>
      %mul3A_213 = arith.muli %gather3A_210, %mul3A_212 : vector<16xi32>
      %add3A_214 = arith.constant 32 : i32
      %add3A_215 = vector.broadcast %add3A_214 : i32 to vector<16xi32>
      %add3A_216 = arith.addi %add3A_215, %iota3A : vector<16xi32>
      %mul3A_217 = arith.constant 50 : i32
      %mul3A_218 = vector.broadcast %mul3A_217 : i32 to vector<16xi32>
      %mul3A_219 = arith.muli %add3A_216, %mul3A_218 : vector<16xi32>
      %add3A_220 = vector.broadcast %add3A_188 : i32 to vector<16xi32>
      %add3A_221 = arith.addi %mul3A_219, %add3A_220 : vector<16xi32>
      %gather3A_222 = tpu.vector_load_idx %arg5[%add3A_221] : memref<6400xi32, #tpu.memory_space<vmem>>[vector<16xi32>], vector<16xi32>,
      %mul3A_223 = arith.constant 305 : i32
      %mul3A_224 = vector.broadcast %mul3A_223 : i32 to vector<16xi32>
      %mul3A_225 = arith.muli %gather3A_222, %mul3A_224 : vector<16xi32>
      %add3A_226 = arith.constant 48 : i32
      %add3A_227 = vector.broadcast %add3A_226 : i32 to vector<16xi32>
      %add3A_228 = arith.addi %add3A_227, %iota3A : vector<16xi32>
      %mul3A_229 = arith.constant 50 : i32
      %mul3A_230 = vector.broadcast %mul3A_229 : i32 to vector<16xi32>
      %mul3A_231 = arith.muli %add3A_228, %mul3A_230 : vector<16xi32>
      %add3A_232 = vector.broadcast %add3A_188 : i32 to vector<16xi32>
      %add3A_233 = arith.addi %mul3A_231, %add3A_232 : vector<16xi32>
      %gather3A_234 = tpu.vector_load_idx %arg5[%add3A_233] : memref<6400xi32, #tpu.memory_space<vmem>>[vector<16xi32>], vector<16xi32>,
      %mul3A_235 = arith.constant 305 : i32
      %mul3A_236 = vector.broadcast %mul3A_235 : i32 to vector<16xi32>
      %mul3A_237 = arith.muli %gather3A_234, %mul3A_236 : vector<16xi32>
      %add3A_238 = arith.constant 64 : i32
      %add3A_239 = vector.broadcast %add3A_238 : i32 to vector<16xi32>
      %add3A_240 = arith.addi %add3A_239, %iota3A : vector<16xi32>
      %mul3A_241 = arith.constant 50 : i32
      %mul3A_242 = vector.broadcast %mul3A_241 : i32 to vector<16xi32>
      %mul3A_243 = arith.muli %add3A_240, %mul3A_242 : vector<16xi32>
      %add3A_244 = vector.broadcast %add3A_188 : i32 to vector<16xi32>
      %add3A_245 = arith.addi %mul3A_243, %add3A_244 : vector<16xi32>
      %gather3A_246 = tpu.vector_load_idx %arg5[%add3A_245] : memref<6400xi32, #tpu.memory_space<vmem>>[vector<16xi32>], vector<16xi32>,
      %mul3A_247 = arith.constant 305 : i32
      %mul3A_248 = vector.broadcast %mul3A_247 : i32 to vector<16xi32>
      %mul3A_249 = arith.muli %gather3A_246, %mul3A_248 : vector<16xi32>
      %add3A_250 = arith.constant 80 : i32
      %add3A_251 = vector.broadcast %add3A_250 : i32 to vector<16xi32>
      %add3A_252 = arith.addi %add3A_251, %iota3A : vector<16xi32>
      %mul3A_253 = arith.constant 50 : i32
      %mul3A_254 = vector.broadcast %mul3A_253 : i32 to vector<16xi32>
      %mul3A_255 = arith.muli %add3A_252, %mul3A_254 : vector<16xi32>
      %add3A_256 = vector.broadcast %add3A_188 : i32 to vector<16xi32>
      %add3A_257 = arith.addi %mul3A_255, %add3A_256 : vector<16xi32>
      %gather3A_258 = tpu.vector_load_idx %arg5[%add3A_257] : memref<6400xi32, #tpu.memory_space<vmem>>[vector<16xi32>], vector<16xi32>,
      %mul3A_259 = arith.constant 305 : i32
      %mul3A_260 = vector.broadcast %mul3A_259 : i32 to vector<16xi32>
      %mul3A_261 = arith.muli %gather3A_258, %mul3A_260 : vector<16xi32>
      %add3A_262 = arith.constant 96 : i32
      %add3A_263 = vector.broadcast %add3A_262 : i32 to vector<16xi32>
      %add3A_264 = arith.addi %add3A_263, %iota3A : vector<16xi32>
      %mul3A_265 = arith.constant 50 : i32
      %mul3A_266 = vector.broadcast %mul3A_265 : i32 to vector<16xi32>
      %mul3A_267 = arith.muli %add3A_264, %mul3A_266 : vector<16xi32>
      %add3A_268 = vector.broadcast %add3A_188 : i32 to vector<16xi32>
      %add3A_269 = arith.addi %mul3A_267, %add3A_268 : vector<16xi32>
      %gather3A_270 = tpu.vector_load_idx %arg5[%add3A_269] : memref<6400xi32, #tpu.memory_space<vmem>>[vector<16xi32>], vector<16xi32>,
      %mul3A_271 = arith.constant 305 : i32
      %mul3A_272 = vector.broadcast %mul3A_271 : i32 to vector<16xi32>
      %mul3A_273 = arith.muli %gather3A_270, %mul3A_272 : vector<16xi32>
      %add3A_274 = arith.constant 112 : i32
      %add3A_275 = vector.broadcast %add3A_274 : i32 to vector<16xi32>
      %add3A_276 = arith.addi %add3A_275, %iota3A : vector<16xi32>
      %mul3A_277 = arith.constant 50 : i32
      %mul3A_278 = vector.broadcast %mul3A_277 : i32 to vector<16xi32>
      %mul3A_279 = arith.muli %add3A_276, %mul3A_278 : vector<16xi32>
      %add3A_280 = vector.broadcast %add3A_188 : i32 to vector<16xi32>
      %add3A_281 = arith.addi %mul3A_279, %add3A_280 : vector<16xi32>
      %gather3A_282 = tpu.vector_load_idx %arg5[%add3A_281] : memref<6400xi32, #tpu.memory_space<vmem>>[vector<16xi32>], vector<16xi32>,
      %mul3A_283 = arith.constant 305 : i32
      %mul3A_284 = vector.broadcast %mul3A_283 : i32 to vector<16xi32>
      %mul3A_285 = arith.muli %gather3A_282, %mul3A_284 : vector<16xi32>
      %parallel_loop3A = arith.constant 0 : i32
      %parallel_loop3A_286 = arith.constant 300 : i32
      %parallel_loop3A_287 = arith.constant 1 : i32
      scf.for %parallel_loop3A_449 = %parallel_loop3A to %parallel_loop3A_286 step %parallel_loop3A_287  : i32 {
        %parallel_loop3A_450 = vector.broadcast %parallel_loop3A_449 : i32 to vector<16xi32>
        %parallel_loop3A_451 = arith.addi %mul3A_201, %parallel_loop3A_450 : vector<16xi32>
        %parallel_loop3A_452 = tpu.vector_load_idx %arg6[%parallel_loop3A_451] : memref<2752xf32, #tpu.memory_space<vmem>>[vector<16xi32>], vector<16xf32>,
        %parallel_loop3A_453 = arith.constant 0 : i32
        %parallel_loop3A_454 = arith.index_cast %parallel_loop3A_453 : i32 to index
        %parallel_loop3A_455 = arith.index_cast %parallel_loop3A_449 : i32 to index
        %parallel_loop3A_456 = arith.constant 0 : index
        %parallel_loop3A_457 = tpu.vector_load %arg7[%parallel_loop3A_454, %parallel_loop3A_455, %parallel_loop3A_456] {strides = array<i32>} : memref<2x304x128xf32, #tpu.memory_space<vmem>>, vector<16xf32>,
        tpu.vector_store %arg7[%parallel_loop3A_454, %parallel_loop3A_455, %parallel_loop3A_456], %parallel_loop3A_452 {strides = array<i32>} : memref<2x304x128xf32, #tpu.memory_space<vmem>>, vector<16xf32>,
        %parallel_loop3A_458 = vector.broadcast %parallel_loop3A_449 : i32 to vector<16xi32>
        %parallel_loop3A_459 = arith.addi %mul3A_213, %parallel_loop3A_458 : vector<16xi32>
        %parallel_loop3A_460 = tpu.vector_load_idx %arg6[%parallel_loop3A_459] : memref<2752xf32, #tpu.memory_space<vmem>>[vector<16xi32>], vector<16xf32>,
        %parallel_loop3A_461 = arith.constant 0 : i32
        %parallel_loop3A_462 = arith.index_cast %parallel_loop3A_461 : i32 to index
        %parallel_loop3A_463 = arith.index_cast %parallel_loop3A_449 : i32 to index
        %parallel_loop3A_464 = arith.constant 16 : index
        %parallel_loop3A_465 = tpu.vector_load %arg7[%parallel_loop3A_462, %parallel_loop3A_463, %parallel_loop3A_464] {strides = array<i32>} : memref<2x304x128xf32, #tpu.memory_space<vmem>>, vector<16xf32>,
        tpu.vector_store %arg7[%parallel_loop3A_462, %parallel_loop3A_463, %parallel_loop3A_464], %parallel_loop3A_460 {strides = array<i32>} : memref<2x304x128xf32, #tpu.memory_space<vmem>>, vector<16xf32>,
        %parallel_loop3A_466 = vector.broadcast %parallel_loop3A_449 : i32 to vector<16xi32>
        %parallel_loop3A_467 = arith.addi %mul3A_225, %parallel_loop3A_466 : vector<16xi32>
        %parallel_loop3A_468 = tpu.vector_load_idx %arg6[%parallel_loop3A_467] : memref<2752xf32, #tpu.memory_space<vmem>>[vector<16xi32>], vector<16xf32>,
        %parallel_loop3A_469 = arith.constant 0 : i32
        %parallel_loop3A_470 = arith.index_cast %parallel_loop3A_469 : i32 to index
        %parallel_loop3A_471 = arith.index_cast %parallel_loop3A_449 : i32 to index
        %parallel_loop3A_472 = arith.constant 32 : index
        %parallel_loop3A_473 = tpu.vector_load %arg7[%parallel_loop3A_470, %parallel_loop3A_471, %parallel_loop3A_472] {strides = array<i32>} : memref<2x304x128xf32, #tpu.memory_space<vmem>>, vector<16xf32>,
        tpu.vector_store %arg7[%parallel_loop3A_470, %parallel_loop3A_471, %parallel_loop3A_472], %parallel_loop3A_468 {strides = array<i32>} : memref<2x304x128xf32, #tpu.memory_space<vmem>>, vector<16xf32>,
        %parallel_loop3A_474 = vector.broadcast %parallel_loop3A_449 : i32 to vector<16xi32>
        %parallel_loop3A_475 = arith.addi %mul3A_237, %parallel_loop3A_474 : vector<16xi32>
        %parallel_loop3A_476 = tpu.vector_load_idx %arg6[%parallel_loop3A_475] : memref<2752xf32, #tpu.memory_space<vmem>>[vector<16xi32>], vector<16xf32>,
        %parallel_loop3A_477 = arith.constant 0 : i32
        %parallel_loop3A_478 = arith.index_cast %parallel_loop3A_477 : i32 to index
        %parallel_loop3A_479 = arith.index_cast %parallel_loop3A_449 : i32 to index
        %parallel_loop3A_480 = arith.constant 48 : index
        %parallel_loop3A_481 = tpu.vector_load %arg7[%parallel_loop3A_478, %parallel_loop3A_479, %parallel_loop3A_480] {strides = array<i32>} : memref<2x304x128xf32, #tpu.memory_space<vmem>>, vector<16xf32>,
        tpu.vector_store %arg7[%parallel_loop3A_478, %parallel_loop3A_479, %parallel_loop3A_480], %parallel_loop3A_476 {strides = array<i32>} : memref<2x304x128xf32, #tpu.memory_space<vmem>>, vector<16xf32>,
        %parallel_loop3A_482 = vector.broadcast %parallel_loop3A_449 : i32 to vector<16xi32>
        %parallel_loop3A_483 = arith.addi %mul3A_249, %parallel_loop3A_482 : vector<16xi32>
        %parallel_loop3A_484 = tpu.vector_load_idx %arg6[%parallel_loop3A_483] : memref<2752xf32, #tpu.memory_space<vmem>>[vector<16xi32>], vector<16xf32>,
        %parallel_loop3A_485 = arith.constant 0 : i32
        %parallel_loop3A_486 = arith.index_cast %parallel_loop3A_485 : i32 to index
        %parallel_loop3A_487 = arith.index_cast %parallel_loop3A_449 : i32 to index
        %parallel_loop3A_488 = arith.constant 64 : index
        %parallel_loop3A_489 = tpu.vector_load %arg7[%parallel_loop3A_486, %parallel_loop3A_487, %parallel_loop3A_488] {strides = array<i32>} : memref<2x304x128xf32, #tpu.memory_space<vmem>>, vector<16xf32>,
        tpu.vector_store %arg7[%parallel_loop3A_486, %parallel_loop3A_487, %parallel_loop3A_488], %parallel_loop3A_484 {strides = array<i32>} : memref<2x304x128xf32, #tpu.memory_space<vmem>>, vector<16xf32>,
        %parallel_loop3A_490 = vector.broadcast %parallel_loop3A_449 : i32 to vector<16xi32>
        %parallel_loop3A_491 = arith.addi %mul3A_261, %parallel_loop3A_490 : vector<16xi32>
        %parallel_loop3A_492 = tpu.vector_load_idx %arg6[%parallel_loop3A_491] : memref<2752xf32, #tpu.memory_space<vmem>>[vector<16xi32>], vector<16xf32>,
        %parallel_loop3A_493 = arith.constant 0 : i32
        %parallel_loop3A_494 = arith.index_cast %parallel_loop3A_493 : i32 to index
        %parallel_loop3A_495 = arith.index_cast %parallel_loop3A_449 : i32 to index
        %parallel_loop3A_496 = arith.constant 80 : index
        %parallel_loop3A_497 = tpu.vector_load %arg7[%parallel_loop3A_494, %parallel_loop3A_495, %parallel_loop3A_496] {strides = array<i32>} : memref<2x304x128xf32, #tpu.memory_space<vmem>>, vector<16xf32>,
        tpu.vector_store %arg7[%parallel_loop3A_494, %parallel_loop3A_495, %parallel_loop3A_496], %parallel_loop3A_492 {strides = array<i32>} : memref<2x304x128xf32, #tpu.memory_space<vmem>>, vector<16xf32>,
        %parallel_loop3A_498 = vector.broadcast %parallel_loop3A_449 : i32 to vector<16xi32>
        %parallel_loop3A_499 = arith.addi %mul3A_273, %parallel_loop3A_498 : vector<16xi32>
        %parallel_loop3A_500 = tpu.vector_load_idx %arg6[%parallel_loop3A_499] : memref<2752xf32, #tpu.memory_space<vmem>>[vector<16xi32>], vector<16xf32>,
        %parallel_loop3A_501 = arith.constant 0 : i32
        %parallel_loop3A_502 = arith.index_cast %parallel_loop3A_501 : i32 to index
        %parallel_loop3A_503 = arith.index_cast %parallel_loop3A_449 : i32 to index
        %parallel_loop3A_504 = arith.constant 96 : index
        %parallel_loop3A_505 = tpu.vector_load %arg7[%parallel_loop3A_502, %parallel_loop3A_503, %parallel_loop3A_504] {strides = array<i32>} : memref<2x304x128xf32, #tpu.memory_space<vmem>>, vector<16xf32>,
        tpu.vector_store %arg7[%parallel_loop3A_502, %parallel_loop3A_503, %parallel_loop3A_504], %parallel_loop3A_500 {strides = array<i32>} : memref<2x304x128xf32, #tpu.memory_space<vmem>>, vector<16xf32>,
        %parallel_loop3A_506 = vector.broadcast %parallel_loop3A_449 : i32 to vector<16xi32>
        %parallel_loop3A_507 = arith.addi %mul3A_285, %parallel_loop3A_506 : vector<16xi32>
        %parallel_loop3A_508 = tpu.vector_load_idx %arg6[%parallel_loop3A_507] : memref<2752xf32, #tpu.memory_space<vmem>>[vector<16xi32>], vector<16xf32>,
        %parallel_loop3A_509 = arith.constant 0 : i32
        %parallel_loop3A_510 = arith.index_cast %parallel_loop3A_509 : i32 to index
        %parallel_loop3A_511 = arith.index_cast %parallel_loop3A_449 : i32 to index
        %parallel_loop3A_512 = arith.constant 112 : index
        %parallel_loop3A_513 = tpu.vector_load %arg7[%parallel_loop3A_510, %parallel_loop3A_511, %parallel_loop3A_512] {strides = array<i32>} : memref<2x304x128xf32, #tpu.memory_space<vmem>>, vector<16xf32>,
        tpu.vector_store %arg7[%parallel_loop3A_510, %parallel_loop3A_511, %parallel_loop3A_512], %parallel_loop3A_508 {strides = array<i32>} : memref<2x304x128xf32, #tpu.memory_space<vmem>>, vector<16xf32>,
      } {sc.loop_unroll_factor = 8 : i64, sc.parallel_access}
      %dma_start3A = arith.constant 0 : i32
      %dma_start3A_288 = arith.constant 0 : i32
      %dma_start3A_289 = arith.constant 0 : i32
      %dma_start3A_290 = tpu.memref_slice %arg7[%dma_start3A, %dma_start3A_288, %dma_start3A_289] : memref<2x304x128xf32, #tpu.memory_space<vmem>> -> memref<1x304x128xf32, #tpu.memory_space<vmem>>
      %dma_start3A_291 = tpu.memref_squeeze %dma_start3A_290 : memref<1x304x128xf32, #tpu.memory_space<vmem>> -> memref<304x128xf32, #tpu.memory_space<vmem>>
      %dma_start3A_292 = arith.constant 0 : i32
      %dma_start3A_293 = arith.constant 0 : i32
      %dma_start3A_294 = tpu.memref_slice %dma_start3A_291[%dma_start3A_292, %dma_start3A_293] : memref<304x128xf32, #tpu.memory_space<vmem>> -> memref<300x128xf32, #tpu.memory_space<vmem>>
      %dma_start3A_295 = arith.constant 0 : i32
      %dma_start3A_296 = arith.constant 0 : i32
      %dma_start3A_297 = tpu.memref_slice %arg4[%add3A_188, %dma_start3A_295, %dma_start3A_296] : memref<50x300x4096xf32, #tpu.memory_space<hbm>> -> memref<1x300x4096xf32, #tpu.memory_space<hbm>>
      %dma_start3A_298 = tpu.memref_squeeze %dma_start3A_297 : memref<1x300x4096xf32, #tpu.memory_space<hbm>> -> memref<300x4096xf32, #tpu.memory_space<hbm>>
      %dma_start3A_299 = arith.constant 0 : i32
      %dma_start3A_300 = tpu.memref_slice %dma_start3A_298[%dma_start3A_299, %mul3A_2] : memref<300x4096xf32, #tpu.memory_space<hbm>> -> memref<300x128xf32, #tpu.memory_space<hbm>>
      %dma_start3A_301 = arith.constant 0 : i32
      %dma_start3A_302 = arith.constant 0 : i32
      %dma_start3A_303 = tpu.memref_slice %arg4[%add3A_188, %dma_start3A_301, %dma_start3A_302] : memref<50x300x4096xf32, #tpu.memory_space<hbm>> -> memref<1x300x4096xf32, #tpu.memory_space<hbm>>
      %dma_start3A_304 = tpu.memref_squeeze %dma_start3A_303 : memref<1x300x4096xf32, #tpu.memory_space<hbm>> -> memref<300x4096xf32, #tpu.memory_space<hbm>>
      %dma_start3A_305 = arith.constant 0 : i32
      %dma_start3A_306 = tpu.memref_slice %dma_start3A_304[%dma_start3A_305, %mul3A_2] : memref<300x4096xf32, #tpu.memory_space<hbm>> -> memref<300x128xf32, #tpu.memory_space<hbm>>
      %dma_start3A_307 = arith.constant 0 : i32
      %dma_start3A_308 = arith.constant 0 : i32
      %dma_start3A_309 = tpu.memref_slice %arg7[%dma_start3A, %dma_start3A_307, %dma_start3A_308] : memref<2x304x128xf32, #tpu.memory_space<vmem>> -> memref<1x304x128xf32, #tpu.memory_space<vmem>>
      %dma_start3A_310 = tpu.memref_squeeze %dma_start3A_309 : memref<1x304x128xf32, #tpu.memory_space<vmem>> -> memref<304x128xf32, #tpu.memory_space<vmem>>
      %dma_start3A_311 = arith.constant 0 : i32
      %dma_start3A_312 = arith.constant 0 : i32
      %dma_start3A_313 = tpu.memref_slice %dma_start3A_310[%dma_start3A_311, %dma_start3A_312] : memref<304x128xf32, #tpu.memory_space<vmem>> -> memref<300x128xf32, #tpu.memory_space<vmem>>
      tpu.enqueue_dma source(%dma_start3A_313 : memref<300x128xf32, #tpu.memory_space<vmem>>) target(%dma_start3A_306 : memref<300x128xf32, #tpu.memory_space<hbm>>) target_semaphore(%arg8 : memref<!tpu.dma_semaphore, #tpu.memory_space<semaphore_mem>>)
      %mul3A_314 = arith.constant 2 : i32
      %mul3A_315 = arith.muli %scan3A_184, %mul3A_314 : i32
      %add3A_316 = arith.constant 1 : i32
      %add3A_317 = arith.addi %mul3A_315, %add3A_316 : i32
      %gt3A_318 = arith.constant 0 : i32
      %gt3A_319 = arith.cmpi sgt, %scan3A_184, %gt3A_318 : i32
      %convert_element_type3A_320 = arith.extui %gt3A_319 : i1 to i32
      %cond3A_321 = arith.constant 0 : i32
      %cond3A_322 = arith.cmpi ne, %convert_element_type3A_320, %cond3A_321 : i32
      scf.if %cond3A_322 {
        %dma_wait3A_449 = arith.constant 1 : i32
        %dma_wait3A_450 = arith.constant 0 : i32
        %dma_wait3A_451 = arith.constant 0 : i32
        %dma_wait3A_452 = arith.constant 0 : i32
        %dma_wait3A_453 = tpu.memref_slice %arg7[%dma_wait3A_449, %dma_wait3A_451, %dma_wait3A_452] : memref<2x304x128xf32, #tpu.memory_space<vmem>> -> memref<1x304x128xf32, #tpu.memory_space<vmem>>
        %dma_wait3A_454 = tpu.memref_squeeze %dma_wait3A_453 : memref<1x304x128xf32, #tpu.memory_space<vmem>> -> memref<304x128xf32, #tpu.memory_space<vmem>>
        %dma_wait3A_455 = arith.constant 0 : i32
        %dma_wait3A_456 = arith.constant 0 : i32
        %dma_wait3A_457 = tpu.memref_slice %dma_wait3A_454[%dma_wait3A_455, %dma_wait3A_456] : memref<304x128xf32, #tpu.memory_space<vmem>> -> memref<300x128xf32, #tpu.memory_space<vmem>>
        %dma_wait3A_458 = arith.constant 0 : i32
        %dma_wait3A_459 = arith.constant 0 : i32
        %dma_wait3A_460 = tpu.memref_slice %arg4[%dma_wait3A_450, %dma_wait3A_458, %dma_wait3A_459] : memref<50x300x4096xf32, #tpu.memory_space<hbm>> -> memref<1x300x4096xf32, #tpu.memory_space<hbm>>
        %dma_wait3A_461 = tpu.memref_squeeze %dma_wait3A_460 : memref<1x300x4096xf32, #tpu.memory_space<hbm>> -> memref<300x4096xf32, #tpu.memory_space<hbm>>
        %dma_wait3A_462 = arith.constant 0 : i32
        %dma_wait3A_463 = arith.constant 0 : i32
        %dma_wait3A_464 = tpu.memref_slice %dma_wait3A_461[%dma_wait3A_462, %dma_wait3A_463] : memref<300x4096xf32, #tpu.memory_space<hbm>> -> memref<300x128xf32, #tpu.memory_space<hbm>>
        %dma_wait3A_465 = arith.constant 0 : i32
        %dma_wait3A_466 = arith.constant 0 : i32
        %dma_wait3A_467 = tpu.memref_slice %arg4[%dma_wait3A_450, %dma_wait3A_465, %dma_wait3A_466] : memref<50x300x4096xf32, #tpu.memory_space<hbm>> -> memref<1x300x4096xf32, #tpu.memory_space<hbm>>
        %dma_wait3A_468 = tpu.memref_squeeze %dma_wait3A_467 : memref<1x300x4096xf32, #tpu.memory_space<hbm>> -> memref<300x4096xf32, #tpu.memory_space<hbm>>
        %dma_wait3A_469 = arith.constant 0 : i32
        %dma_wait3A_470 = arith.constant 0 : i32
        %dma_wait3A_471 = tpu.memref_slice %dma_wait3A_468[%dma_wait3A_469, %dma_wait3A_470] : memref<300x4096xf32, #tpu.memory_space<hbm>> -> memref<300x128xf32, #tpu.memory_space<hbm>>
        %dma_wait3A_472 = arith.constant 0 : i32
        %dma_wait3A_473 = arith.constant 0 : i32
        %dma_wait3A_474 = tpu.memref_slice %arg7[%dma_wait3A_449, %dma_wait3A_472, %dma_wait3A_473] : memref<2x304x128xf32, #tpu.memory_space<vmem>> -> memref<1x304x128xf32, #tpu.memory_space<vmem>>
        %dma_wait3A_475 = tpu.memref_squeeze %dma_wait3A_474 : memref<1x304x128xf32, #tpu.memory_space<vmem>> -> memref<304x128xf32, #tpu.memory_space<vmem>>
        %dma_wait3A_476 = arith.constant 0 : i32
        %dma_wait3A_477 = arith.constant 0 : i32
        %dma_wait3A_478 = tpu.memref_slice %dma_wait3A_475[%dma_wait3A_476, %dma_wait3A_477] : memref<304x128xf32, #tpu.memory_space<vmem>> -> memref<300x128xf32, #tpu.memory_space<vmem>>
        tpu.wait_dma2 semaphore(%arg9 : memref<!tpu.dma_semaphore, #tpu.memory_space<semaphore_mem>>) src(%dma_wait3A_478 : memref<300x128xf32, #tpu.memory_space<vmem>>) dst(%dma_wait3A_471 : memref<300x128xf32, #tpu.memory_space<hbm>>)
      } else {
      }
      %add3A_323 = arith.constant 0 : i32
      %add3A_324 = vector.broadcast %add3A_323 : i32 to vector<16xi32>
      %add3A_325 = arith.addi %add3A_324, %iota3A : vector<16xi32>
      %mul3A_326 = arith.constant 50 : i32
      %mul3A_327 = vector.broadcast %mul3A_326 : i32 to vector<16xi32>
      %mul3A_328 = arith.muli %add3A_325, %mul3A_327 : vector<16xi32>
      %add3A_329 = vector.broadcast %add3A_317 : i32 to vector<16xi32>
      %add3A_330 = arith.addi %mul3A_328, %add3A_329 : vector<16xi32>
      %gather3A_331 = tpu.vector_load_idx %arg5[%add3A_330] : memref<6400xi32, #tpu.memory_space<vmem>>[vector<16xi32>], vector<16xi32>,
      %mul3A_332 = arith.constant 305 : i32
      %mul3A_333 = vector.broadcast %mul3A_332 : i32 to vector<16xi32>
      %mul3A_334 = arith.muli %gather3A_331, %mul3A_333 : vector<16xi32>
      %add3A_335 = arith.constant 16 : i32
      %add3A_336 = vector.broadcast %add3A_335 : i32 to vector<16xi32>
      %add3A_337 = arith.addi %add3A_336, %iota3A : vector<16xi32>
      %mul3A_338 = arith.constant 50 : i32
      %mul3A_339 = vector.broadcast %mul3A_338 : i32 to vector<16xi32>
      %mul3A_340 = arith.muli %add3A_337, %mul3A_339 : vector<16xi32>
      %add3A_341 = vector.broadcast %add3A_317 : i32 to vector<16xi32>
      %add3A_342 = arith.addi %mul3A_340, %add3A_341 : vector<16xi32>
      %gather3A_343 = tpu.vector_load_idx %arg5[%add3A_342] : memref<6400xi32, #tpu.memory_space<vmem>>[vector<16xi32>], vector<16xi32>,
      %mul3A_344 = arith.constant 305 : i32
      %mul3A_345 = vector.broadcast %mul3A_344 : i32 to vector<16xi32>
      %mul3A_346 = arith.muli %gather3A_343, %mul3A_345 : vector<16xi32>
      %add3A_347 = arith.constant 32 : i32
      %add3A_348 = vector.broadcast %add3A_347 : i32 to vector<16xi32>
      %add3A_349 = arith.addi %add3A_348, %iota3A : vector<16xi32>
      %mul3A_350 = arith.constant 50 : i32
      %mul3A_351 = vector.broadcast %mul3A_350 : i32 to vector<16xi32>
      %mul3A_352 = arith.muli %add3A_349, %mul3A_351 : vector<16xi32>
      %add3A_353 = vector.broadcast %add3A_317 : i32 to vector<16xi32>
      %add3A_354 = arith.addi %mul3A_352, %add3A_353 : vector<16xi32>
      %gather3A_355 = tpu.vector_load_idx %arg5[%add3A_354] : memref<6400xi32, #tpu.memory_space<vmem>>[vector<16xi32>], vector<16xi32>,
      %mul3A_356 = arith.constant 305 : i32
      %mul3A_357 = vector.broadcast %mul3A_356 : i32 to vector<16xi32>
      %mul3A_358 = arith.muli %gather3A_355, %mul3A_357 : vector<16xi32>
      %add3A_359 = arith.constant 48 : i32
      %add3A_360 = vector.broadcast %add3A_359 : i32 to vector<16xi32>
      %add3A_361 = arith.addi %add3A_360, %iota3A : vector<16xi32>
      %mul3A_362 = arith.constant 50 : i32
      %mul3A_363 = vector.broadcast %mul3A_362 : i32 to vector<16xi32>
      %mul3A_364 = arith.muli %add3A_361, %mul3A_363 : vector<16xi32>
      %add3A_365 = vector.broadcast %add3A_317 : i32 to vector<16xi32>
      %add3A_366 = arith.addi %mul3A_364, %add3A_365 : vector<16xi32>
      %gather3A_367 = tpu.vector_load_idx %arg5[%add3A_366] : memref<6400xi32, #tpu.memory_space<vmem>>[vector<16xi32>], vector<16xi32>,
      %mul3A_368 = arith.constant 305 : i32
      %mul3A_369 = vector.broadcast %mul3A_368 : i32 to vector<16xi32>
      %mul3A_370 = arith.muli %gather3A_367, %mul3A_369 : vector<16xi32>
      %add3A_371 = arith.constant 64 : i32
      %add3A_372 = vector.broadcast %add3A_371 : i32 to vector<16xi32>
      %add3A_373 = arith.addi %add3A_372, %iota3A : vector<16xi32>
      %mul3A_374 = arith.constant 50 : i32
      %mul3A_375 = vector.broadcast %mul3A_374 : i32 to vector<16xi32>
      %mul3A_376 = arith.muli %add3A_373, %mul3A_375 : vector<16xi32>
      %add3A_377 = vector.broadcast %add3A_317 : i32 to vector<16xi32>
      %add3A_378 = arith.addi %mul3A_376, %add3A_377 : vector<16xi32>
      %gather3A_379 = tpu.vector_load_idx %arg5[%add3A_378] : memref<6400xi32, #tpu.memory_space<vmem>>[vector<16xi32>], vector<16xi32>,
      %mul3A_380 = arith.constant 305 : i32
      %mul3A_381 = vector.broadcast %mul3A_380 : i32 to vector<16xi32>
      %mul3A_382 = arith.muli %gather3A_379, %mul3A_381 : vector<16xi32>
      %add3A_383 = arith.constant 80 : i32
      %add3A_384 = vector.broadcast %add3A_383 : i32 to vector<16xi32>
      %add3A_385 = arith.addi %add3A_384, %iota3A : vector<16xi32>
      %mul3A_386 = arith.constant 50 : i32
      %mul3A_387 = vector.broadcast %mul3A_386 : i32 to vector<16xi32>
      %mul3A_388 = arith.muli %add3A_385, %mul3A_387 : vector<16xi32>
      %add3A_389 = vector.broadcast %add3A_317 : i32 to vector<16xi32>
      %add3A_390 = arith.addi %mul3A_388, %add3A_389 : vector<16xi32>
      %gather3A_391 = tpu.vector_load_idx %arg5[%add3A_390] : memref<6400xi32, #tpu.memory_space<vmem>>[vector<16xi32>], vector<16xi32>,
      %mul3A_392 = arith.constant 305 : i32
      %mul3A_393 = vector.broadcast %mul3A_392 : i32 to vector<16xi32>
      %mul3A_394 = arith.muli %gather3A_391, %mul3A_393 : vector<16xi32>
      %add3A_395 = arith.constant 96 : i32
      %add3A_396 = vector.broadcast %add3A_395 : i32 to vector<16xi32>
      %add3A_397 = arith.addi %add3A_396, %iota3A : vector<16xi32>
      %mul3A_398 = arith.constant 50 : i32
      %mul3A_399 = vector.broadcast %mul3A_398 : i32 to vector<16xi32>
      %mul3A_400 = arith.muli %add3A_397, %mul3A_399 : vector<16xi32>
      %add3A_401 = vector.broadcast %add3A_317 : i32 to vector<16xi32>
      %add3A_402 = arith.addi %mul3A_400, %add3A_401 : vector<16xi32>
      %gather3A_403 = tpu.vector_load_idx %arg5[%add3A_402] : memref<6400xi32, #tpu.memory_space<vmem>>[vector<16xi32>], vector<16xi32>,
      %mul3A_404 = arith.constant 305 : i32
      %mul3A_405 = vector.broadcast %mul3A_404 : i32 to vector<16xi32>
      %mul3A_406 = arith.muli %gather3A_403, %mul3A_405 : vector<16xi32>
      %add3A_407 = arith.constant 112 : i32
      %add3A_408 = vector.broadcast %add3A_407 : i32 to vector<16xi32>
      %add3A_409 = arith.addi %add3A_408, %iota3A : vector<16xi32>
      %mul3A_410 = arith.constant 50 : i32
      %mul3A_411 = vector.broadcast %mul3A_410 : i32 to vector<16xi32>
      %mul3A_412 = arith.muli %add3A_409, %mul3A_411 : vector<16xi32>
      %add3A_413 = vector.broadcast %add3A_317 : i32 to vector<16xi32>
      %add3A_414 = arith.addi %mul3A_412, %add3A_413 : vector<16xi32>
      %gather3A_415 = tpu.vector_load_idx %arg5[%add3A_414] : memref<6400xi32, #tpu.memory_space<vmem>>[vector<16xi32>], vector<16xi32>,
      %mul3A_416 = arith.constant 305 : i32
      %mul3A_417 = vector.broadcast %mul3A_416 : i32 to vector<16xi32>
      %mul3A_418 = arith.muli %gather3A_415, %mul3A_417 : vector<16xi32>
      %parallel_loop3A_419 = arith.constant 0 : i32
      %parallel_loop3A_420 = arith.constant 300 : i32
      %parallel_loop3A_421 = arith.constant 1 : i32
      scf.for %parallel_loop3A_449 = %parallel_loop3A_419 to %parallel_loop3A_420 step %parallel_loop3A_421  : i32 {
        %parallel_loop3A_450 = vector.broadcast %parallel_loop3A_449 : i32 to vector<16xi32>
        %parallel_loop3A_451 = arith.addi %mul3A_334, %parallel_loop3A_450 : vector<16xi32>
        %parallel_loop3A_452 = tpu.vector_load_idx %arg6[%parallel_loop3A_451] : memref<2752xf32, #tpu.memory_space<vmem>>[vector<16xi32>], vector<16xf32>,
        %parallel_loop3A_453 = arith.constant 1 : i32
        %parallel_loop3A_454 = arith.index_cast %parallel_loop3A_453 : i32 to index
        %parallel_loop3A_455 = arith.index_cast %parallel_loop3A_449 : i32 to index
        %parallel_loop3A_456 = arith.constant 0 : index
        %parallel_loop3A_457 = tpu.vector_load %arg7[%parallel_loop3A_454, %parallel_loop3A_455, %parallel_loop3A_456] {strides = array<i32>} : memref<2x304x128xf32, #tpu.memory_space<vmem>>, vector<16xf32>,
        tpu.vector_store %arg7[%parallel_loop3A_454, %parallel_loop3A_455, %parallel_loop3A_456], %parallel_loop3A_452 {strides = array<i32>} : memref<2x304x128xf32, #tpu.memory_space<vmem>>, vector<16xf32>,
        %parallel_loop3A_458 = vector.broadcast %parallel_loop3A_449 : i32 to vector<16xi32>
        %parallel_loop3A_459 = arith.addi %mul3A_346, %parallel_loop3A_458 : vector<16xi32>
        %parallel_loop3A_460 = tpu.vector_load_idx %arg6[%parallel_loop3A_459] : memref<2752xf32, #tpu.memory_space<vmem>>[vector<16xi32>], vector<16xf32>,
        %parallel_loop3A_461 = arith.constant 1 : i32
        %parallel_loop3A_462 = arith.index_cast %parallel_loop3A_461 : i32 to index
        %parallel_loop3A_463 = arith.index_cast %parallel_loop3A_449 : i32 to index
        %parallel_loop3A_464 = arith.constant 16 : index
        %parallel_loop3A_465 = tpu.vector_load %arg7[%parallel_loop3A_462, %parallel_loop3A_463, %parallel_loop3A_464] {strides = array<i32>} : memref<2x304x128xf32, #tpu.memory_space<vmem>>, vector<16xf32>,
        tpu.vector_store %arg7[%parallel_loop3A_462, %parallel_loop3A_463, %parallel_loop3A_464], %parallel_loop3A_460 {strides = array<i32>} : memref<2x304x128xf32, #tpu.memory_space<vmem>>, vector<16xf32>,
        %parallel_loop3A_466 = vector.broadcast %parallel_loop3A_449 : i32 to vector<16xi32>
        %parallel_loop3A_467 = arith.addi %mul3A_358, %parallel_loop3A_466 : vector<16xi32>
        %parallel_loop3A_468 = tpu.vector_load_idx %arg6[%parallel_loop3A_467] : memref<2752xf32, #tpu.memory_space<vmem>>[vector<16xi32>], vector<16xf32>,
        %parallel_loop3A_469 = arith.constant 1 : i32
        %parallel_loop3A_470 = arith.index_cast %parallel_loop3A_469 : i32 to index
        %parallel_loop3A_471 = arith.index_cast %parallel_loop3A_449 : i32 to index
        %parallel_loop3A_472 = arith.constant 32 : index
        %parallel_loop3A_473 = tpu.vector_load %arg7[%parallel_loop3A_470, %parallel_loop3A_471, %parallel_loop3A_472] {strides = array<i32>} : memref<2x304x128xf32, #tpu.memory_space<vmem>>, vector<16xf32>,
        tpu.vector_store %arg7[%parallel_loop3A_470, %parallel_loop3A_471, %parallel_loop3A_472], %parallel_loop3A_468 {strides = array<i32>} : memref<2x304x128xf32, #tpu.memory_space<vmem>>, vector<16xf32>,
        %parallel_loop3A_474 = vector.broadcast %parallel_loop3A_449 : i32 to vector<16xi32>
        %parallel_loop3A_475 = arith.addi %mul3A_370, %parallel_loop3A_474 : vector<16xi32>
        %parallel_loop3A_476 = tpu.vector_load_idx %arg6[%parallel_loop3A_475] : memref<2752xf32, #tpu.memory_space<vmem>>[vector<16xi32>], vector<16xf32>,
        %parallel_loop3A_477 = arith.constant 1 : i32
        %parallel_loop3A_478 = arith.index_cast %parallel_loop3A_477 : i32 to index
        %parallel_loop3A_479 = arith.index_cast %parallel_loop3A_449 : i32 to index
        %parallel_loop3A_480 = arith.constant 48 : index
        %parallel_loop3A_481 = tpu.vector_load %arg7[%parallel_loop3A_478, %parallel_loop3A_479, %parallel_loop3A_480] {strides = array<i32>} : memref<2x304x128xf32, #tpu.memory_space<vmem>>, vector<16xf32>,
        tpu.vector_store %arg7[%parallel_loop3A_478, %parallel_loop3A_479, %parallel_loop3A_480], %parallel_loop3A_476 {strides = array<i32>} : memref<2x304x128xf32, #tpu.memory_space<vmem>>, vector<16xf32>,
        %parallel_loop3A_482 = vector.broadcast %parallel_loop3A_449 : i32 to vector<16xi32>
        %parallel_loop3A_483 = arith.addi %mul3A_382, %parallel_loop3A_482 : vector<16xi32>
        %parallel_loop3A_484 = tpu.vector_load_idx %arg6[%parallel_loop3A_483] : memref<2752xf32, #tpu.memory_space<vmem>>[vector<16xi32>], vector<16xf32>,
        %parallel_loop3A_485 = arith.constant 1 : i32
        %parallel_loop3A_486 = arith.index_cast %parallel_loop3A_485 : i32 to index
        %parallel_loop3A_487 = arith.index_cast %parallel_loop3A_449 : i32 to index
        %parallel_loop3A_488 = arith.constant 64 : index
        %parallel_loop3A_489 = tpu.vector_load %arg7[%parallel_loop3A_486, %parallel_loop3A_487, %parallel_loop3A_488] {strides = array<i32>} : memref<2x304x128xf32, #tpu.memory_space<vmem>>, vector<16xf32>,
        tpu.vector_store %arg7[%parallel_loop3A_486, %parallel_loop3A_487, %parallel_loop3A_488], %parallel_loop3A_484 {strides = array<i32>} : memref<2x304x128xf32, #tpu.memory_space<vmem>>, vector<16xf32>,
        %parallel_loop3A_490 = vector.broadcast %parallel_loop3A_449 : i32 to vector<16xi32>
        %parallel_loop3A_491 = arith.addi %mul3A_394, %parallel_loop3A_490 : vector<16xi32>
        %parallel_loop3A_492 = tpu.vector_load_idx %arg6[%parallel_loop3A_491] : memref<2752xf32, #tpu.memory_space<vmem>>[vector<16xi32>], vector<16xf32>,
        %parallel_loop3A_493 = arith.constant 1 : i32
        %parallel_loop3A_494 = arith.index_cast %parallel_loop3A_493 : i32 to index
        %parallel_loop3A_495 = arith.index_cast %parallel_loop3A_449 : i32 to index
        %parallel_loop3A_496 = arith.constant 80 : index
        %parallel_loop3A_497 = tpu.vector_load %arg7[%parallel_loop3A_494, %parallel_loop3A_495, %parallel_loop3A_496] {strides = array<i32>} : memref<2x304x128xf32, #tpu.memory_space<vmem>>, vector<16xf32>,
        tpu.vector_store %arg7[%parallel_loop3A_494, %parallel_loop3A_495, %parallel_loop3A_496], %parallel_loop3A_492 {strides = array<i32>} : memref<2x304x128xf32, #tpu.memory_space<vmem>>, vector<16xf32>,
        %parallel_loop3A_498 = vector.broadcast %parallel_loop3A_449 : i32 to vector<16xi32>
        %parallel_loop3A_499 = arith.addi %mul3A_406, %parallel_loop3A_498 : vector<16xi32>
        %parallel_loop3A_500 = tpu.vector_load_idx %arg6[%parallel_loop3A_499] : memref<2752xf32, #tpu.memory_space<vmem>>[vector<16xi32>], vector<16xf32>,
        %parallel_loop3A_501 = arith.constant 1 : i32
        %parallel_loop3A_502 = arith.index_cast %parallel_loop3A_501 : i32 to index
        %parallel_loop3A_503 = arith.index_cast %parallel_loop3A_449 : i32 to index
        %parallel_loop3A_504 = arith.constant 96 : index
        %parallel_loop3A_505 = tpu.vector_load %arg7[%parallel_loop3A_502, %parallel_loop3A_503, %parallel_loop3A_504] {strides = array<i32>} : memref<2x304x128xf32, #tpu.memory_space<vmem>>, vector<16xf32>,
        tpu.vector_store %arg7[%parallel_loop3A_502, %parallel_loop3A_503, %parallel_loop3A_504], %parallel_loop3A_500 {strides = array<i32>} : memref<2x304x128xf32, #tpu.memory_space<vmem>>, vector<16xf32>,
        %parallel_loop3A_506 = vector.broadcast %parallel_loop3A_449 : i32 to vector<16xi32>
        %parallel_loop3A_507 = arith.addi %mul3A_418, %parallel_loop3A_506 : vector<16xi32>
        %parallel_loop3A_508 = tpu.vector_load_idx %arg6[%parallel_loop3A_507] : memref<2752xf32, #tpu.memory_space<vmem>>[vector<16xi32>], vector<16xf32>,
        %parallel_loop3A_509 = arith.constant 1 : i32
        %parallel_loop3A_510 = arith.index_cast %parallel_loop3A_509 : i32 to index
        %parallel_loop3A_511 = arith.index_cast %parallel_loop3A_449 : i32 to index
        %parallel_loop3A_512 = arith.constant 112 : index
        %parallel_loop3A_513 = tpu.vector_load %arg7[%parallel_loop3A_510, %parallel_loop3A_511, %parallel_loop3A_512] {strides = array<i32>} : memref<2x304x128xf32, #tpu.memory_space<vmem>>, vector<16xf32>,
        tpu.vector_store %arg7[%parallel_loop3A_510, %parallel_loop3A_511, %parallel_loop3A_512], %parallel_loop3A_508 {strides = array<i32>} : memref<2x304x128xf32, #tpu.memory_space<vmem>>, vector<16xf32>,
      } {sc.loop_unroll_factor = 8 : i64, sc.parallel_access}
      %dma_start3A_422 = arith.constant 1 : i32
      %dma_start3A_423 = arith.constant 0 : i32
      %dma_start3A_424 = arith.constant 0 : i32
      %dma_start3A_425 = tpu.memref_slice %arg7[%dma_start3A_422, %dma_start3A_423, %dma_start3A_424] : memref<2x304x128xf32, #tpu.memory_space<vmem>> -> memref<1x304x128xf32, #tpu.memory_space<vmem>>
      %dma_start3A_426 = tpu.memref_squeeze %dma_start3A_425 : memref<1x304x128xf32, #tpu.memory_space<vmem>> -> memref<304x128xf32, #tpu.memory_space<vmem>>
      %dma_start3A_427 = arith.constant 0 : i32
      %dma_start3A_428 = arith.constant 0 : i32
      %dma_start3A_429 = tpu.memref_slice %dma_start3A_426[%dma_start3A_427, %dma_start3A_428] : memref<304x128xf32, #tpu.memory_space<vmem>> -> memref<300x128xf32, #tpu.memory_space<vmem>>
      %dma_start3A_430 = arith.constant 0 : i32
      %dma_start3A_431 = arith.constant 0 : i32
      %dma_start3A_432 = tpu.memref_slice %arg4[%add3A_317, %dma_start3A_430, %dma_start3A_431] : memref<50x300x4096xf32, #tpu.memory_space<hbm>> -> memref<1x300x4096xf32, #tpu.memory_space<hbm>>
      %dma_start3A_433 = tpu.memref_squeeze %dma_start3A_432 : memref<1x300x4096xf32, #tpu.memory_space<hbm>> -> memref<300x4096xf32, #tpu.memory_space<hbm>>
      %dma_start3A_434 = arith.constant 0 : i32
      %dma_start3A_435 = tpu.memref_slice %dma_start3A_433[%dma_start3A_434, %mul3A_2] : memref<300x4096xf32, #tpu.memory_space<hbm>> -> memref<300x128xf32, #tpu.memory_space<hbm>>
      %dma_start3A_436 = arith.constant 0 : i32
      %dma_start3A_437 = arith.constant 0 : i32
      %dma_start3A_438 = tpu.memref_slice %arg4[%add3A_317, %dma_start3A_436, %dma_start3A_437] : memref<50x300x4096xf32, #tpu.memory_space<hbm>> -> memref<1x300x4096xf32, #tpu.memory_space<hbm>>
      %dma_start3A_439 = tpu.memref_squeeze %dma_start3A_438 : memref<1x300x4096xf32, #tpu.memory_space<hbm>> -> memref<300x4096xf32, #tpu.memory_space<hbm>>
      %dma_start3A_440 = arith.constant 0 : i32
      %dma_start3A_441 = tpu.memref_slice %dma_start3A_439[%dma_start3A_440, %mul3A_2] : memref<300x4096xf32, #tpu.memory_space<hbm>> -> memref<300x128xf32, #tpu.memory_space<hbm>>
      %dma_start3A_442 = arith.constant 0 : i32
      %dma_start3A_443 = arith.constant 0 : i32
      %dma_start3A_444 = tpu.memref_slice %arg7[%dma_start3A_422, %dma_start3A_442, %dma_start3A_443] : memref<2x304x128xf32, #tpu.memory_space<vmem>> -> memref<1x304x128xf32, #tpu.memory_space<vmem>>
      %dma_start3A_445 = tpu.memref_squeeze %dma_start3A_444 : memref<1x304x128xf32, #tpu.memory_space<vmem>> -> memref<304x128xf32, #tpu.memory_space<vmem>>
      %dma_start3A_446 = arith.constant 0 : i32
      %dma_start3A_447 = arith.constant 0 : i32
      %dma_start3A_448 = tpu.memref_slice %dma_start3A_445[%dma_start3A_446, %dma_start3A_447] : memref<304x128xf32, #tpu.memory_space<vmem>> -> memref<300x128xf32, #tpu.memory_space<vmem>>
      tpu.enqueue_dma source(%dma_start3A_448 : memref<300x128xf32, #tpu.memory_space<vmem>>) target(%dma_start3A_441 : memref<300x128xf32, #tpu.memory_space<hbm>>) target_semaphore(%arg9 : memref<!tpu.dma_semaphore, #tpu.memory_space<semaphore_mem>>)
    }
    %scan3A_124 = arith.constant 25 : i32
    %dma_wait3A = arith.constant 0 : i32
    %dma_wait3A_125 = arith.constant 0 : i32
    %dma_wait3A_126 = arith.constant 0 : i32
    %dma_wait3A_127 = arith.constant 0 : i32
    %dma_wait3A_128 = tpu.memref_slice %arg7[%dma_wait3A, %dma_wait3A_126, %dma_wait3A_127] : memref<2x304x128xf32, #tpu.memory_space<vmem>> -> memref<1x304x128xf32, #tpu.memory_space<vmem>>
    %dma_wait3A_129 = tpu.memref_squeeze %dma_wait3A_128 : memref<1x304x128xf32, #tpu.memory_space<vmem>> -> memref<304x128xf32, #tpu.memory_space<vmem>>
    %dma_wait3A_130 = arith.constant 0 : i32
    %dma_wait3A_131 = arith.constant 0 : i32
    %dma_wait3A_132 = tpu.memref_slice %dma_wait3A_129[%dma_wait3A_130, %dma_wait3A_131] : memref<304x128xf32, #tpu.memory_space<vmem>> -> memref<300x128xf32, #tpu.memory_space<vmem>>
    %dma_wait3A_133 = arith.constant 0 : i32
    %dma_wait3A_134 = arith.constant 0 : i32
    %dma_wait3A_135 = tpu.memref_slice %arg4[%dma_wait3A_125, %dma_wait3A_133, %dma_wait3A_134] : memref<50x300x4096xf32, #tpu.memory_space<hbm>> -> memref<1x300x4096xf32, #tpu.memory_space<hbm>>
    %dma_wait3A_136 = tpu.memref_squeeze %dma_wait3A_135 : memref<1x300x4096xf32, #tpu.memory_space<hbm>> -> memref<300x4096xf32, #tpu.memory_space<hbm>>
    %dma_wait3A_137 = arith.constant 0 : i32
    %dma_wait3A_138 = arith.constant 0 : i32
    %dma_wait3A_139 = tpu.memref_slice %dma_wait3A_136[%dma_wait3A_137, %dma_wait3A_138] : memref<300x4096xf32, #tpu.memory_space<hbm>> -> memref<300x128xf32, #tpu.memory_space<hbm>>
    %dma_wait3A_140 = arith.constant 0 : i32
    %dma_wait3A_141 = arith.constant 0 : i32
    %dma_wait3A_142 = tpu.memref_slice %arg4[%dma_wait3A_125, %dma_wait3A_140, %dma_wait3A_141] : memref<50x300x4096xf32, #tpu.memory_space<hbm>> -> memref<1x300x4096xf32, #tpu.memory_space<hbm>>
    %dma_wait3A_143 = tpu.memref_squeeze %dma_wait3A_142 : memref<1x300x4096xf32, #tpu.memory_space<hbm>> -> memref<300x4096xf32, #tpu.memory_space<hbm>>
    %dma_wait3A_144 = arith.constant 0 : i32
    %dma_wait3A_145 = arith.constant 0 : i32
    %dma_wait3A_146 = tpu.memref_slice %dma_wait3A_143[%dma_wait3A_144, %dma_wait3A_145] : memref<300x4096xf32, #tpu.memory_space<hbm>> -> memref<300x128xf32, #tpu.memory_space<hbm>>
    %dma_wait3A_147 = arith.constant 0 : i32
    %dma_wait3A_148 = arith.constant 0 : i32
    %dma_wait3A_149 = tpu.memref_slice %arg7[%dma_wait3A, %dma_wait3A_147, %dma_wait3A_148] : memref<2x304x128xf32, #tpu.memory_space<vmem>> -> memref<1x304x128xf32, #tpu.memory_space<vmem>>
    %dma_wait3A_150 = tpu.memref_squeeze %dma_wait3A_149 : memref<1x304x128xf32, #tpu.memory_space<vmem>> -> memref<304x128xf32, #tpu.memory_space<vmem>>
    %dma_wait3A_151 = arith.constant 0 : i32
    %dma_wait3A_152 = arith.constant 0 : i32
    %dma_wait3A_153 = tpu.memref_slice %dma_wait3A_150[%dma_wait3A_151, %dma_wait3A_152] : memref<304x128xf32, #tpu.memory_space<vmem>> -> memref<300x128xf32, #tpu.memory_space<vmem>>
    tpu.wait_dma2 semaphore(%arg8 : memref<!tpu.dma_semaphore, #tpu.memory_space<semaphore_mem>>) src(%dma_wait3A_153 : memref<300x128xf32, #tpu.memory_space<vmem>>) dst(%dma_wait3A_146 : memref<300x128xf32, #tpu.memory_space<hbm>>)
    %dma_wait3A_154 = arith.constant 1 : i32
    %dma_wait3A_155 = arith.constant 0 : i32
    %dma_wait3A_156 = arith.constant 0 : i32
    %dma_wait3A_157 = arith.constant 0 : i32
    %dma_wait3A_158 = tpu.memref_slice %arg7[%dma_wait3A_154, %dma_wait3A_156, %dma_wait3A_157] : memref<2x304x128xf32, #tpu.memory_space<vmem>> -> memref<1x304x128xf32, #tpu.memory_space<vmem>>
    %dma_wait3A_159 = tpu.memref_squeeze %dma_wait3A_158 : memref<1x304x128xf32, #tpu.memory_space<vmem>> -> memref<304x128xf32, #tpu.memory_space<vmem>>
    %dma_wait3A_160 = arith.constant 0 : i32
    %dma_wait3A_161 = arith.constant 0 : i32
    %dma_wait3A_162 = tpu.memref_slice %dma_wait3A_159[%dma_wait3A_160, %dma_wait3A_161] : memref<304x128xf32, #tpu.memory_space<vmem>> -> memref<300x128xf32, #tpu.memory_space<vmem>>
    %dma_wait3A_163 = arith.constant 0 : i32
    %dma_wait3A_164 = arith.constant 0 : i32
    %dma_wait3A_165 = tpu.memref_slice %arg4[%dma_wait3A_155, %dma_wait3A_163, %dma_wait3A_164] : memref<50x300x4096xf32, #tpu.memory_space<hbm>> -> memref<1x300x4096xf32, #tpu.memory_space<hbm>>
    %dma_wait3A_166 = tpu.memref_squeeze %dma_wait3A_165 : memref<1x300x4096xf32, #tpu.memory_space<hbm>> -> memref<300x4096xf32, #tpu.memory_space<hbm>>
    %dma_wait3A_167 = arith.constant 0 : i32
    %dma_wait3A_168 = arith.constant 0 : i32
    %dma_wait3A_169 = tpu.memref_slice %dma_wait3A_166[%dma_wait3A_167, %dma_wait3A_168] : memref<300x4096xf32, #tpu.memory_space<hbm>> -> memref<300x128xf32, #tpu.memory_space<hbm>>
    %dma_wait3A_170 = arith.constant 0 : i32
    %dma_wait3A_171 = arith.constant 0 : i32
    %dma_wait3A_172 = tpu.memref_slice %arg4[%dma_wait3A_155, %dma_wait3A_170, %dma_wait3A_171] : memref<50x300x4096xf32, #tpu.memory_space<hbm>> -> memref<1x300x4096xf32, #tpu.memory_space<hbm>>
    %dma_wait3A_173 = tpu.memref_squeeze %dma_wait3A_172 : memref<1x300x4096xf32, #tpu.memory_space<hbm>> -> memref<300x4096xf32, #tpu.memory_space<hbm>>
    %dma_wait3A_174 = arith.constant 0 : i32
    %dma_wait3A_175 = arith.constant 0 : i32
    %dma_wait3A_176 = tpu.memref_slice %dma_wait3A_173[%dma_wait3A_174, %dma_wait3A_175] : memref<300x4096xf32, #tpu.memory_space<hbm>> -> memref<300x128xf32, #tpu.memory_space<hbm>>
    %dma_wait3A_177 = arith.constant 0 : i32
    %dma_wait3A_178 = arith.constant 0 : i32
    %dma_wait3A_179 = tpu.memref_slice %arg7[%dma_wait3A_154, %dma_wait3A_177, %dma_wait3A_178] : memref<2x304x128xf32, #tpu.memory_space<vmem>> -> memref<1x304x128xf32, #tpu.memory_space<vmem>>
    %dma_wait3A_180 = tpu.memref_squeeze %dma_wait3A_179 : memref<1x304x128xf32, #tpu.memory_space<vmem>> -> memref<304x128xf32, #tpu.memory_space<vmem>>
    %dma_wait3A_181 = arith.constant 0 : i32
    %dma_wait3A_182 = arith.constant 0 : i32
    %dma_wait3A_183 = tpu.memref_slice %dma_wait3A_180[%dma_wait3A_181, %dma_wait3A_182] : memref<304x128xf32, #tpu.memory_space<vmem>> -> memref<300x128xf32, #tpu.memory_space<vmem>>
    tpu.wait_dma2 semaphore(%arg9 : memref<!tpu.dma_semaphore, #tpu.memory_space<semaphore_mem>>) src(%dma_wait3A_183 : memref<300x128xf32, #tpu.memory_space<vmem>>) dst(%dma_wait3A_176 : memref<300x128xf32, #tpu.memory_space<hbm>>)
    return
  }
}

</mosaic_0001>

<sc_bundles>
// kernel: kernel.3.cloned.1.call-start
scs
__scs_entry_jumppad:
0x0: {  	(pc) =	sbr.rel $0x88, $3  }
0x1: {  	(tag) =	ssettag $0x0;
	lr =	simm.s32 $0x1  }
0x2: {  	[smem:$0x3F9F] =	sst lr;
	_ =	strace $0xD0000000  }
0x3: {  	_ = 	snop  }
0x4: {  	_ = 	snop  }
0x5: {  	_ = 	snop  }
0x6: {  	_ = 	snop  }
0x7: {  	_ = 	snop  }
__scs_overlays_trampoline_lowered:
0x8: {  	[smem:$0x3FAE] =	sst s0  }
0x9: {  	[smem:$0x3FAF] =	sst s1  }
0xa: {  	[smem:$0x3FB0] =	sst s2  }
0xb: {  	[smem:$0x3FB1] =	sst s3  }
0xc: {  	[smem:$0x3FB2] =	sst s4  }
0xd: {  	[smem:$0x3FB3] =	sst s5  }
0xe: {  	[smem:$0x3FB4] =	sst s6  }
0xf: {  	[smem:$0x3FB5] =	sst s7  }
0x10: {  	[smem:$0x3FB6] =	sst s8  }
0x11: {  	[smem:$0x3FB7] =	sst s9;
	s0 =	simm.s32 @!p0 $0x0  }
0x12: {  	s1 =	sld [smem:$0x3F9D];
	s0 =	simm.s32 @p0 $0x1  }
0x13: {  	[smem:$0x3FB8] =	sst s0;
	s0 =	simm.s32 @!p1 $0x0  }
0x14: {  	s2 =	sld [smem:$0x3F9C];
	s0 =	simm.s32 @p1 $0x1  }
0x15: {  	[smem:$0x3FB9] =	sst s0;
	s0 =	simm.s32 @!p2 $0x0  }
0x16: {  	s3 =	sld [smem:$0x3FDB];
	s0 =	simm.s32 @p2 $0x1  }
0x17: {  	s4 =	simm.s32 $0x1BF5;
	[smem:$0x3FBB] =	sst s0  }
0x18: {  	s0 =	sld [smem:$0x3F9E];
	_ =	swait.ge [sflag:s4], $0x0  }
0x19: {  	s7 =	sld [smem:$0x3F9F]  }
0x1a: {  	s8 =	sadd.s32 $0xFFFFE003, lr  }
0x1b: {  	s9 =	sadd.s32 $0xFFFFFEF7, lr;
	s5 =	simm.s32 $0xFFFFFFFF;
	p2 =	slt.u32 s8, $0xFFFFF086  }
0x1c: {  	p1 =	slt.u32 s9, $0xF7A;
	s5 =	simm.s32 @!p2 $0x0  }
0x1d: {  	s5 =	simm.s32 @p1 $0x1;
	p0 =	seq.s32 s7, s2  }
0x1e: {  	s7 =	smul.u32 @!p0 $0xF7A, s2;
	p2 =	seq.s32 @!p0 s5, $0x0  }
0x1f: {  	s9 =	smul.u32 $0xF7A, s1;
	s8 =	simm.s32 @!p0 $0x1BF5;
	p2 =	por !p2, p0  }
0x20: {  	[sflag:s8] =	ssyncset.s32 @!p0 $0xFFFFF086;
	s6 =	sadd.s32 @!p0 s3, s7;
	s7 =	simm.s32 @!p0 $0x108  }
0x21: {  	s3 =	sadd.s32 s3, s9;
	s6 =	sadd.s32 @!p0 $0x88, s6;
	s7 =	simm.s32 @p2 $0x1082  }
0x22: {  	[simem:s7], [sflag:s8] =	dma.local @!p0 [hbm:s6], $0xF7A  }
0x23: {  	s9 =	sor.u32 $0xD0000000, s2;
	s6 =	simm.s32 $0x108;
	_ =	swait.ge @!p0 [sflag:s8], $0x0  }
0x24: {  	s3 =	sadd.s32 $0x88, s3;
	s6 =	simm.s32 @!p1 $0x1082;
	[sflag:s4] =	ssyncset.s32 $0xFFFFF086  }
0x25: {  	[simem:s6], [sflag:s4] =	dma.local [hbm:s3], $0xF7A  }
0x26: {  	[smem:$0x3F9F] =	sst s1;
	(tag) =	ssettag s2;
	_ =	strace s9  }
0x27: {  	s1 =	sld [smem:$0x3FAF]  }
0x28: {  	s2 =	sld [smem:$0x3FB0]  }
0x29: {  	s4 =	sld [smem:$0x3FB2]  }
0x2a: {  	p0 =	seq.s32 s5, $0x0;
	s5 =	sld [smem:$0x3FB3]  }
0x2b: {  	s6 =	sld [smem:$0x3FB4]  }
0x2c: {  	s7 =	sld [smem:$0x3FB5]  }
0x2d: {  	s3 =	simm.s32 $0x108;
	s8 =	sld [smem:$0x3FB6]  }
0x2e: {  	s3 =	simm.s32 @!p0 $0x1082;
	s9 =	sld [smem:$0x3FB7]  }
0x2f: {  	lr =	sadd.s32 s0, s3;
	s0 =	sld [smem:$0x3FAE]  }
0x30: {  	s3 =	sld [smem:$0x3FB1]  }
0x31: {  	[smem:$0x3FBA] =	sst s10  }
0x32: {  	s10 =	sld [smem:$0x3FB8];
	_ =	sdelay $0x3  }
0x33: {  	p0 =	seq.s32 s10, $0x1;
	s10 =	sld [smem:$0x3FBA];
	_ =	sdelay $0x3  }
0x34: {  	[smem:$0x3FBA] =	sst s10  }
0x35: {  	s10 =	sld [smem:$0x3FB9];
	_ =	sdelay $0x3  }
0x36: {  	p1 =	seq.s32 s10, $0x1;
	s10 =	sld [smem:$0x3FBA];
	_ =	sdelay $0x3  }
0x37: {  	[smem:$0x3FBA] =	sst s10  }
0x38: {  	s10 =	sld [smem:$0x3FBB]  }
0x39: {  	_ = 	snop;
	(pc) =	sbr.ind lr, $3  }
0x3a: {  	_ = 	snop  }
0x3b: {  	_ = 	snop  }
0x3c: {  	p2 =	seq.s32 s10, $0x1;
	s10 =	sld [smem:$0x3FBA]  }
0x3d: {  	_ =	shalt  }
0x3e: {  	_ =	shalt  }
0x3f: {  	_ =	shalt  }
0x40: {  	_ =	shalt  }
0x41: {  	_ =	shalt  }
0x42: {  	_ =	shalt  }
0x43: {  	_ =	shalt  }
0x44: {  	_ =	shalt  }
0x45: {  	_ =	shalt  }
0x46: {  	_ =	shalt  }
0x47: {  	_ =	shalt  }
0x48: {  	_ =	shalt  }
0x49: {  	_ =	shalt  }
0x4a: {  	_ =	shalt  }
0x4b: {  	_ =	shalt  }
0x4c: {  	_ =	shalt  }
0x4d: {  	_ =	shalt  }
0x4e: {  	_ =	shalt  }
0x4f: {  	_ =	shalt  }
0x50: {  	_ =	shalt  }
0x51: {  	_ =	shalt  }
0x52: {  	_ =	shalt  }
0x53: {  	_ =	shalt  }
0x54: {  	_ =	shalt  }
0x55: {  	_ =	shalt  }
0x56: {  	_ =	shalt  }
0x57: {  	_ =	shalt  }
0x58: {  	_ =	shalt  }
0x59: {  	_ =	shalt  }
0x5a: {  	_ =	shalt  }
0x5b: {  	_ =	shalt  }
0x5c: {  	_ =	shalt  }
0x5d: {  	_ =	shalt  }
0x5e: {  	_ =	shalt  }
0x5f: {  	_ =	shalt  }
0x60: {  	_ =	shalt  }
0x61: {  	_ =	shalt  }
0x62: {  	_ =	shalt  }
0x63: {  	_ =	shalt  }
0x64: {  	_ =	shalt  }
0x65: {  	_ =	shalt  }
0x66: {  	_ =	shalt  }
0x67: {  	_ =	shalt  }
0x68: {  	_ =	shalt  }
0x69: {  	_ =	shalt  }
0x6a: {  	_ =	shalt  }
0x6b: {  	_ =	shalt  }
0x6c: {  	_ =	shalt  }
0x6d: {  	_ =	shalt  }
0x6e: {  	_ =	shalt  }
0x6f: {  	_ =	shalt  }
0x70: {  	_ =	shalt  }
0x71: {  	_ =	shalt  }
0x72: {  	_ =	shalt  }
0x73: {  	_ =	shalt  }
0x74: {  	_ =	shalt  }
0x75: {  	_ =	shalt  }
0x76: {  	_ =	shalt  }
0x77: {  	_ =	shalt  }
0x78: {  	_ =	shalt  }
0x79: {  	_ =	shalt  }
0x7a: {  	_ =	shalt  }
0x7b: {  	_ =	shalt  }
0x7c: {  	_ =	shalt  }
0x7d: {  	_ =	shalt  }
0x7e: {  	_ =	shalt  }
0x7f: {  	_ =	shalt  }
0x80: {  	_ =	shalt  }
0x81: {  	_ =	shalt  }
0x82: {  	_ =	shalt  }
0x83: {  	_ =	shalt  }
0x84: {  	_ =	shalt  }
0x85: {  	_ =	shalt  }
0x86: {  	_ =	shalt  }
0x87: {  	_ =	shalt  }
.Lfunc_end0:
.L_simem_size_0:
called_computation_lowered:
.L_overlay_start_0:
0x88: {  	s2 =	sld [smem:$0x3FD9]  }
0x89: {  	s3 =	sld [smem:$0x3FFE];
	_ =	sdelay $0x1  }
0x8a: {  	s1 =	srdreg.scid  }
0x8b: {  	s0 =	sand.u32 $0x1, s1  }
0x8c: {  	s17 =	sshll.u32 s0, $0xA;
	s2 =	sadd.s32 s3, s2  }
0x8d: {  	s2 =	sadd.s32 s2, s17  }
0x8e: {  	[smem:$0x3FC6] =	sst s2  }
0x8f: {  	_ = 	snop  }
0x90: {  	s2 =	sld [smem:$0x3FD0];
	(tm) =	ssettm $0x1  }
0x91: {  	s18 =	sld [smem:$0x3FFB];
	_ =	sdelay $0x3  }
0x92: {  	_ =	strace s18  }
0x93: {  	s3 =	sld [smem:$0x3FFC];
	_ =	sdelay $0x3  }
0x94: {  	_ =	strace s3  }
0x95: {  	s3 =	sld [smem:$0x3FFD];
	_ =	sdelay $0x3  }
0x96: {  	_ =	strace s3  }
0x97: {  	_ =	strace $0x8FFFFFFF  }
0x98: {  	s19 =	sld [smem:$0x3FDB];
	_ =	sdelay $0x1  }
0x99: {  	s4 =	simm.s32 $_scs_section_size  }
0x9a: {  	s5 =	simm.s32 $_size__tile_overlayer_lowered;
	s6 =	simm.s32 $_tile_overlayer_lowered  }
0x9b: {  	s22 =	simm.s32 $0x1BFF;
	s21 =	sshll.u32 s6, $0x1;
	s3 =	sadd.s32 s4, s19  }
0x9c: {  	s7 =	simm.s32 $0x0;
	s20 =	sshll.u32 s5, $0x1;
	s5 =	sadd.s32 s21, s3  }
0x9d: {  	[timem:s7], [sflag:s22] =	dma.local [hbm:s5], s20  }
0x9e: {  	_ =	swait.ge [sflag:s22], s20  }
0x9f: {  	s4 =	ssub.s32 $0x0, s20;
	[sflag:s22] =	ssyncset.done $0x0  }
0xa0: {  	[sflag:s22] =	ssyncadd.s32 s4;
	_ =	sdelay $0x1  }
0xa1: {  	s23 =	simm.s32 $0x1B8B  }
0xa2: {  	_ =	swait.ge [sflag:s23], $0x1  }
0xa3: {  	[sflag:s23] =	ssyncset.done $0x0  }
0xa4: {  	s25 =	simm.s32 $0x1B8E;
	s24 =	sld [smem:$0x3FFE];
	[sflag:s23] =	ssyncadd.s32 $0xFFFFFFFF  }
0xa5: {  	s26 =	simm.s32 $execute0_lowered;
	[smem:$0x3FD2] =	sst s25  }
0xa6: {  	s5 =	sshll.u32 s26, $0x1;
	_ =	strace $0x80000046;
	[dreg:$0x1] =	wrdreg $0xFFFFFFFF  }
0xa7: {  	s28 =	simm.s32 $_size_execute0_lowered;
	s3 =	sadd.s32 s3, s5;
	[dreg:$0x0] =	wrdreg $0x0  }
0xa8: {  	s5 =	sshll.u32 s28, $0x1;
	[dreg:$0x2] =	wrdreg s3  }
0xa9: {  	[dreg:$0x3] =	wrdreg s5  }
0xaa: {  	[dreg:$0x4] =	wrdreg $0xC0  }
0xab: {  	_ =	task [dreg:s7], $0x5FFFF  }
0xac: {  	[dreg:$0x1] =	wrdreg $0xFFFFFFFF  }
0xad: {  	[dreg:$0x0] =	wrdreg $0x60  }
0xae: {  	[dreg:$0x2] =	wrdreg s24  }
0xaf: {  	[dreg:$0x3] =	wrdreg s2  }
0xb0: {  	[dreg:$0x4] =	wrdreg $0x9  }
0xb1: {  	_ =	task.clear_ibuf [dreg:s7], $0x5FFFF;
	_ =	strace $0x90000046  }
0xb2: {  	s29 =	simm.s32 $0x9;
	_ =	strace $0x80000048  }
0xb3: {  	_ =	swait.ge [sflag:s29], $0x1  }
0xb4: {  	[sflag:s29] =	ssyncadd.s32 $0xFFFFFFFF  }
0xb5: {  	_ =	strace $0x90000048  }
0xb6: {  	_ =	sfence  }
0xb7: {  	s30 =	sld [smem:$0x0];
	_ =	sdelay $0x2  }
0xb8: {  	s31 =	sshll.u32 s1, $0xD;
	s1 =	sshrl.u32 s1, $0x2  }
0xb9: {  	s3 =	sand.u32 $0x4000, s31;
	s1 =	sadd.s32 s1, s30  }
0xba: {  	s0 =	sor.u32 s3, s0;
	s1 =	sshll.u32 s1, $0x11  }
0xbb: {  	s0 =	sor.u32 s1, s0  }
0xbc: {  	s0 =	sadd.s32 $0x8F2B, s0  }
0xbd: {  	[sflag:s0] =	ssyncadd.remote.s32 $0x1  }
0xbe: {  	_ =	sfence.sel $0xFFFF  }
0xbf: {  	[dreg:$0x0] =	wrdreg $0xFFFFFFFF;
	(pc) =	sbr.abs _section_cstart, $3  }
0xc0: {  	[dreg:$0x1] =	wrdreg $0xFFFFFFFF  }
0xc1: {  	_ =	task.clear_ibuf [dreg:s7], $0x2FFFF;
	_ =	strace $0x9FFFFFFF  }
0xc2: {  	(tm) =	ssettm $0x7FFFFFFF  }
0xc3: {  	_ =	shalt  }
tec
execute0_lowered:
.L_overlay_start_1:
0x0: {  	(tag) =	ssettag $0x1  }
0x1: {  	v0 =	vlaneseq.u32;
	v1 =	vimm.f32 $0.0e+00  }
0x2: {  	v2 =	vor.u32 $0x10, v0;
	v12 =	vor.u32 $0xB0, v0;
	v13 =	vor.u32 $0xC0, v0  }
0x3: {  	v14 =	vor.u32 $0xD0, v0;
	v15 =	vor.u32 $0xE0, v0;
	v16 =	vor.u32 $0xF0, v0  }
0x4: {  	v17 =	vor.u32 $0x100, v0;
	v18 =	vor.u32 $0x110, v0;
	v19 =	vor.u32 $0x120, v0  }
0x5: {  	v20 =	vadd.s32 $0x988, v0;
	v21 =	vadd.s32 $0x998, v0;
	v22 =	vadd.s32 $0x9A8, v0  }
0x6: {  	v23 =	vadd.s32 $0x9B8, v0;
	v24 =	vadd.s32 $0x9C8, v0;
	[tilespmem:$0x1FF60] =	vst v2;
	v2 =	vor.u32 $0x20, v0  }
0x7: {  	s1 =	rddreg [dreg:$0x0];
	s3 =	srdreg.scid;
	s9 =	simm.s32 $0x1900;
	v25 =	vadd.s32 $0x9D8, v0;
	v26 =	vadd.s32 $0x9E8, v0;
	[tilespmem:$0x1FF70] =	vst v2;
	v2 =	vor.u32 $0x30, v0  }
0x8: {  	s0 =	stileid.u32;
	s10 =	simm.s32 $0x400;
	s11 =	simm.s32 $0x8000;
	v27 =	vadd.s32 $0x9F8, v0;
	v28 =	vadd.s32 $0xA08, v0;
	[tilespmem:$0x1FF80] =	vst v2;
	v2 =	vor.u32 $0x40, v0  }
0x9: {  	s2 =	rddreg [dreg:$0x1];
	s12 =	simm.s32 $0x2400;
	s13 =	simm.s32 $0xB800;
	v29 =	vadd.s32 $0xA18, v0;
	v30 =	vadd.s32 $0xA28, v0;
	[tilespmem:$0x1FF90] =	vst v2;
	v2 =	vor.u32 $0x50, v0  }
0xa: {  	s8 =	simm.s32 $0x3;
	s14 =	simm.s32 $0xBC00;
	s15 =	simm.s32 $0x15000;
	v31 =	vadd.s32 $0xA38, v0;
	v32 =	vadd.s32 $0xA48, v0;
	[tilespmem:$0x1FFA0] =	vst v2;
	v2 =	vor.u32 $0x60, v0  }
0xb: {  	s16 =	simm.s32 $0x1;
	s4 =	sand.u32 $0x1, s3;
	s5 =	sshll.u32 s0, $0x1;
	v33 =	vadd.s32 $0xA58, v0;
	v34 =	vmul.u32 $0x32, v0;
	[tilespmem:$0x1FFB0] =	vst v2;
	v2 =	vor.u32 $0x70, v0  }
0xc: {  	s17 =	simm.s32 $0x2;
	s18 =	simm.s32 $0x0;
	v35 =	vadd.s32 $0xA68, v0;
	v36 =	vadd.s32 $0xA78, v0;
	s6 =	sor.u32 s4, s5;
	[tilespmem:$0x1FFC0] =	vst v2;
	v2 =	vor.u32 $0x80, v0  }
0xd: {  	s3 =	simm.s32 $0x0;
	v37 =	vadd.s32 $0xA88, v0;
	v38 =	vadd.s32 $0xA98, v0;
	s7 =	ssub.s32 $0x2, s4;
	s5 =	smul.u32 $0x320, s6;
	[tilespmem:$0x1FFD0] =	vst v2;
	v2 =	vor.u32 $0x90, v0  }
0xe: {  	v39 =	vadd.s32 $0xAA8, v0;
	[smem:$0x7FF] =	sst s3;
	s4 =	sadd.s32 $0x400, s1;
	s31 =	sshrl.u32 s7, $0x1;
	v40 =	vadd.s32 $0x320, v34;
	[tilespmem:$0x1FFE0] =	vst v2;
	v2 =	vor.u32 $0xA0, v0  }
0xf: {  	s6 =	sshll.u32 s6, $0x7;
	v41 =	vadd.s32 $0x640, v34;
	v42 =	vadd.s32 $0x960, v34;
	v43 =	vadd.s32 $0xC80, v34;
	s5 =	sadd.s32 s5, s1;
	s1 =	ssub.s32 s7, s31;
	[tilespmem:$0x1FFF0] =	vst v2  }
0x10: {  	v44 =	vadd.s32 $0xFA0, v34;
	v45 =	vadd.s32 $0x12C0, v34;
	v46 =	vadd.s32 $0x15E0, v34;
	s5 =	sadd.s32 $0x600, s5;
	s7 =	smax.u32 s1, $0x1;
	_ =	strace $0x80000047  }
.LBB2_1:
0x11: {  	[tilespmem:s3], [sflag:$0x3] =	stream.linear.gather [hbm4b:s5+s3], $0x1900, $0x38;
	[tilespmem:$0x15400] =	vst v63  }
0x12: {  	_ =	swait.ge [sflag:s8], $0x1900  }
0x13: {  	[sflag:s8] =	ssyncset.done $0x0  }
0x14: {  	[sflag:s8] =	ssyncadd.s32 $0xFFFFE700  }
0x15: {  	[tilespmem:s9], [sflag:$0x3] =	stream.linear.gather [hbm4b:s4+s3], $0xB00, $0x38;
	[tilespmem:$0x15400] =	vst v63  }
0x16: {  	_ =	swait.ge [sflag:s8], $0xB00  }
0x17: {  	v2 =	vld [tilespmem:$0x1FF60];
	_ =	sdelay $0x4  }
0x18: {  	[sflag:s8] =	ssyncset.done $0x0  }
0x19: {  	[sflag:s8] =	ssyncadd.s32 $0xFFFFF500  }
0x1a: {  	[tilespmem:v0+s9+$0x0] =	vst.idx.msk $0xffff, v1  }
0x1b: {  	[tilespmem:v2+s9+$0x0] =	vst.idx.msk $0xffff, v1;
	v2 =	vld [tilespmem:$0x1FF70];
	_ =	sdelay $0x7  }
0x1c: {  	[tilespmem:v2+s9+$0x0] =	vst.idx.msk $0xffff, v1;
	v2 =	vld [tilespmem:$0x1FF80];
	_ =	sdelay $0x7  }
0x1d: {  	[tilespmem:v2+s9+$0x0] =	vst.idx.msk $0xffff, v1;
	v2 =	vld [tilespmem:$0x1FF90];
	_ =	sdelay $0x7  }
0x1e: {  	[tilespmem:v2+s9+$0x0] =	vst.idx.msk $0xffff, v1;
	v2 =	vld [tilespmem:$0x1FFA0];
	_ =	sdelay $0x7  }
0x1f: {  	[tilespmem:v2+s9+$0x0] =	vst.idx.msk $0xffff, v1;
	v2 =	vld [tilespmem:$0x1FFB0];
	_ =	sdelay $0x7  }
0x20: {  	[tilespmem:v2+s9+$0x0] =	vst.idx.msk $0xffff, v1;
	v2 =	vld [tilespmem:$0x1FFC0];
	_ =	sdelay $0x7  }
0x21: {  	[tilespmem:v2+s9+$0x0] =	vst.idx.msk $0xffff, v1;
	v2 =	vld [tilespmem:$0x1FFD0];
	_ =	sdelay $0x7  }
0x22: {  	[tilespmem:v2+s9+$0x0] =	vst.idx.msk $0xffff, v1;
	v2 =	vld [tilespmem:$0x1FFE0];
	_ =	sdelay $0x7  }
0x23: {  	[tilespmem:v2+s9+$0x0] =	vst.idx.msk $0xffff, v1;
	v2 =	vld [tilespmem:$0x1FFF0];
	_ =	sdelay $0x7  }
0x24: {  	[tilespmem:v2+s9+$0x0] =	vst.idx.msk $0xffff, v1  }
0x25: {  	[tilespmem:v12+s9+$0x0] =	vst.idx.msk $0xffff, v1  }
0x26: {  	[tilespmem:v13+s9+$0x0] =	vst.idx.msk $0xffff, v1  }
0x27: {  	[tilespmem:v14+s9+$0x0] =	vst.idx.msk $0xffff, v1  }
0x28: {  	[tilespmem:v15+s9+$0x0] =	vst.idx.msk $0xffff, v1  }
0x29: {  	[tilespmem:v16+s9+$0x0] =	vst.idx.msk $0xffff, v1  }
0x2a: {  	[tilespmem:v17+s9+$0x0] =	vst.idx.msk $0xffff, v1  }
0x2b: {  	[tilespmem:v18+s9+$0x0] =	vst.idx.msk $0xffff, v1  }
0x2c: {  	[tilespmem:v19+s9+$0x0] =	vst.idx.msk $0xffff, v1  }
0x2d: {  	[tilespmem:v20+s9+$0x0] =	vst.idx.msk $0xffff, v1  }
0x2e: {  	[tilespmem:v21+s9+$0x0] =	vst.idx.msk $0xffff, v1  }
0x2f: {  	[tilespmem:v22+s9+$0x0] =	vst.idx.msk $0xffff, v1  }
0x30: {  	[tilespmem:v23+s9+$0x0] =	vst.idx.msk $0xffff, v1  }
0x31: {  	[tilespmem:v24+s9+$0x0] =	vst.idx.msk $0xffff, v1  }
0x32: {  	[tilespmem:v25+s9+$0x0] =	vst.idx.msk $0xffff, v1  }
0x33: {  	[tilespmem:v26+s9+$0x0] =	vst.idx.msk $0xffff, v1  }
0x34: {  	[tilespmem:v27+s9+$0x0] =	vst.idx.msk $0xffff, v1  }
0x35: {  	[tilespmem:v28+s9+$0x0] =	vst.idx.msk $0xffff, v1  }
0x36: {  	[tilespmem:v29+s9+$0x0] =	vst.idx.msk $0xffff, v1  }
0x37: {  	[tilespmem:v30+s9+$0x0] =	vst.idx.msk $0xffff, v1  }
0x38: {  	[tilespmem:v31+s9+$0x0] =	vst.idx.msk $0xffff, v1  }
0x39: {  	[tilespmem:v32+s9+$0x0] =	vst.idx.msk $0xffff, v1  }
0x3a: {  	[tilespmem:v33+s9+$0x0] =	vst.idx.msk $0xffff, v1  }
0x3b: {  	[tilespmem:v35+s9+$0x0] =	vst.idx.msk $0xffff, v1  }
0x3c: {  	[tilespmem:v36+s9+$0x0] =	vst.idx.msk $0xffff, v1  }
0x3d: {  	[tilespmem:v37+s9+$0x0] =	vst.idx.msk $0xffff, v1  }
0x3e: {  	[tilespmem:v38+s9+$0x0] =	vst.idx.msk $0xffff, v1  }
0x3f: {  	s19 =	simm.s32 $0x0;
	[tilespmem:v39+s9+$0x0] =	vst.idx.msk $0xffff, v1  }
.LBB2_2:
0x40: {  	s20 =	sshll.u32 s19, $0x1  }
0x41: {  	p0 =	seq.s32 s19, $0x0;
	v2 =	vadd.s32 s20, v34  }
0x42: {  	s1 =	simm.s32 @!p0 $0x1  }
0x43: {  	_ =	swait.ge @!p0 [sflag:s1], $0x9600  }
0x44: {  	[sflag:s1] =	ssyncset.done @!p0 $0x0  }
0x45: {  	s21 =	simm.s32 $0x0;
	[sflag:s1] =	ssyncadd.s32 @!p0 $0xFFFF6A00  }
0x46: {  	v4 =	vadd.s32 s20, v41;
	v2 =	vld.idx.msk [tilespmem:v2+s21+$0x0], $0xffff  }
0x47: {  	v3 =	vadd.s32 s20, v40  }
0x48: {  	v48 =	vadd.s32 s20, v42  }
0x49: {  	v49 =	vadd.s32 s20, v43  }
0x4a: {  	v50 =	vadd.s32 s20, v44  }
0x4b: {  	v51 =	vadd.s32 s20, v46;
	v4 =	vld.idx.msk [tilespmem:v4+s21+$0x0], $0xffff;
	v47 =	vmul.u32 $0x131, v2  }
0x4c: {  	v2 =	vld.idx.msk [tilespmem:v3+s21+$0x0], $0xffff;
	v3 =	vadd.s32 s20, v45  }
0x4d: {  	s22 =	simm.s32 $0x7;
	v52 =	vld.idx.msk [tilespmem:v48+s21+$0x0], $0xffff;
	v8 =	vadd.s32 s21, v47  }
0x4e: {  	s28 =	simm.s32 $0x1;
	v53 =	vld.idx.msk [tilespmem:v49+s21+$0x0], $0xffff;
	v9 =	vadd.s32 s22, v47  }
0x4f: {  	s29 =	simm.s32 $0x2;
	v55 =	vld.idx.msk [tilespmem:v50+s21+$0x0], $0xffff;
	v10 =	vadd.s32 s28, v47  }
0x50: {  	s31 =	simm.s32 $0x3;
	v54 =	vld.idx.msk [tilespmem:v51+s21+$0x0], $0xffff;
	v56 =	vadd.s32 s29, v47  }
0x51: {  	s24 =	simm.s32 $0x4;
	v11 =	vadd.s32 s31, v47;
	v3 =	vld.idx.msk [tilespmem:v3+s21+$0x0], $0xffff  }
0x52: {  	s26 =	simm.s32 $0x6;
	v58 =	vadd.s32 s24, v47;
	v57 =	vld.idx.msk [tilespmem:v8+s9+$0x0], $0xffff  }
0x53: {  	s25 =	simm.s32 $0x5;
	v59 =	vadd.s32 s26, v47;
	v48 =	vmul.u32 $0x131, v2;
	v49 =	vld.idx.msk [tilespmem:v9+s9+$0x0], $0xffff  }
0x54: {  	v2 =	vadd.s32 s25, v47;
	v50 =	vld.idx.msk [tilespmem:v10+s9+$0x0], $0xffff  }
0x55: {  	v56 =	vld.idx.msk [tilespmem:v56+s9+$0x0], $0xffff;
	v60 =	vadd.s32 s22, v48  }
0x56: {  	v61 =	vadd.s32 s28, v48;
	v51 =	vld.idx.msk [tilespmem:v11+s9+$0x0], $0xffff  }
0x57: {  	s23 =	simm.s32 $0x2600;
	v62 =	vadd.s32 s29, v48;
	v58 =	vld.idx.msk [tilespmem:v58+s9+$0x0], $0xffff  }
0x58: {  	v63 =	vadd.s32 s31, v48;
	v59 =	vld.idx.msk [tilespmem:v59+s9+$0x0], $0xffff;
	[tilespmem:s23+$0x180] =	vst v49  }
0x59: {  	v5 =	vadd.s32 s24, v48;
	v2 =	vld.idx.msk [tilespmem:v2+s9+$0x0], $0xffff;
	[tilespmem:s23+$0xFFFFFE80] =	vst v50  }
0x5a: {  	v8 =	vadd.s32 s26, v48;
	[tilespmem:s23+$0xFFFFFF00] =	vst v56;
	v50 =	vld.idx.msk [tilespmem:v60+s9+$0x0], $0xffff  }
0x5b: {  	v10 =	vadd.s32 s21, v48;
	v49 =	vmul.u32 $0x131, v4;
	[tilespmem:s23+$0xFFFFFF80] =	vst v51;
	v60 =	vld.idx.msk [tilespmem:v61+s9+$0x0], $0xffff  }
0x5c: {  	v4 =	vadd.s32 s25, v48;
	[tilespmem:s23+$0x0] =	vst v58;
	v61 =	vld.idx.msk [tilespmem:v62+s9+$0x0], $0xffff  }
0x5d: {  	[tilespmem:s23+$0x100] =	vst v59;
	v63 =	vld.idx.msk [tilespmem:v63+s9+$0x0], $0xffff;
	v9 =	vadd.s32 s22, v49  }
0x5e: {  	[tilespmem:s23+$0xFFFFFE00] =	vst v57;
	v5 =	vld.idx.msk [tilespmem:v5+s9+$0x0], $0xffff;
	v11 =	vadd.s32 s28, v49  }
0x5f: {  	v56 =	vld.idx.msk [tilespmem:v8+s9+$0x0], $0xffff;
	v59 =	vadd.s32 s31, v49;
	[tilespmem:s23+$0x80] =	vst v2  }
0x60: {  	v57 =	vld.idx.msk [tilespmem:v10+s9+$0x0], $0xffff;
	v10 =	vadd.s32 s26, v49;
	[tilespmem:s23+$0x190] =	vst v50  }
0x61: {  	v2 =	vadd.s32 s29, v49;
	v4 =	vld.idx.msk [tilespmem:v4+s9+$0x0], $0xffff;
	[tilespmem:s23+$0xFFFFFE90] =	vst v60  }
0x62: {  	v50 =	vmul.u32 $0x131, v52;
	v52 =	vadd.s32 s24, v49;
	[tilespmem:s23+$0xFFFFFF10] =	vst v61;
	v51 =	vld.idx.msk [tilespmem:v9+s9+$0x0], $0xffff  }
0x63: {  	v8 =	vadd.s32 s25, v49;
	[tilespmem:s23+$0xFFFFFF90] =	vst v63;
	v58 =	vld.idx.msk [tilespmem:v11+s9+$0x0], $0xffff  }
0x64: {  	[tilespmem:s23+$0x110] =	vst v56;
	v11 =	vadd.s32 s21, v49;
	v59 =	vld.idx.msk [tilespmem:v59+s9+$0x0], $0xffff  }
0x65: {  	[tilespmem:s23+$0x10] =	vst v5;
	v61 =	vld.idx.msk [tilespmem:v10+s9+$0x0], $0xffff;
	v9 =	vadd.s32 s22, v50  }
0x66: {  	[tilespmem:s23+$0xFFFFFE10] =	vst v57;
	v2 =	vld.idx.msk [tilespmem:v2+s9+$0x0], $0xffff;
	v5 =	vadd.s32 s28, v50  }
0x67: {  	v10 =	vadd.s32 s26, v50;
	[tilespmem:s23+$0x90] =	vst v4;
	v52 =	vld.idx.msk [tilespmem:v52+s9+$0x0], $0xffff  }
0x68: {  	v4 =	vadd.s32 s29, v50;
	v60 =	vld.idx.msk [tilespmem:v8+s9+$0x0], $0xffff;
	[tilespmem:s23+$0x1A0] =	vst v51  }
0x69: {  	v8 =	vadd.s32 s31, v50;
	v62 =	vld.idx.msk [tilespmem:v11+s9+$0x0], $0xffff;
	[tilespmem:s23+$0xFFFFFEA0] =	vst v58  }
0x6a: {  	v51 =	vmul.u32 $0x131, v53;
	[tilespmem:s23+$0x120] =	vst v61;
	v56 =	vld.idx.msk [tilespmem:v9+s9+$0x0], $0xffff;
	v9 =	vadd.s32 s24, v50  }
0x6b: {  	v5 =	vld.idx.msk [tilespmem:v5+s9+$0x0], $0xffff;
	[tilespmem:s23+$0xFFFFFF20] =	vst v2;
	v2 =	vadd.s32 s25, v50  }
0x6c: {  	[tilespmem:s23+$0xFFFFFFA0] =	vst v59;
	v59 =	vld.idx.msk [tilespmem:v10+s9+$0x0], $0xffff;
	v58 =	vadd.s32 s22, v51  }
0x6d: {  	v11 =	vadd.s32 s21, v50;
	v4 =	vld.idx.msk [tilespmem:v4+s9+$0x0], $0xffff;
	[tilespmem:s23+$0x20] =	vst v52  }
0x6e: {  	v6 =	vadd.s32 s28, v51;
	v53 =	vld.idx.msk [tilespmem:v8+s9+$0x0], $0xffff;
	[tilespmem:s23+$0xA0] =	vst v60  }
0x6f: {  	v8 =	vadd.s32 s26, v51;
	[tilespmem:s23+$0xFFFFFE20] =	vst v62;
	v57 =	vld.idx.msk [tilespmem:v9+s9+$0x0], $0xffff  }
0x70: {  	v52 =	vmul.u32 $0x131, v55;
	[tilespmem:s23+$0x1B0] =	vst v56;
	v9 =	vadd.s32 s29, v51;
	v2 =	vld.idx.msk [tilespmem:v2+s9+$0x0], $0xffff  }
0x71: {  	[tilespmem:s23+$0xFFFFFEB0] =	vst v5;
	v56 =	vld.idx.msk [tilespmem:v58+s9+$0x0], $0xffff;
	v58 =	vadd.s32 s31, v51  }
0x72: {  	v10 =	vadd.s32 s22, v52;
	v11 =	vld.idx.msk [tilespmem:v11+s9+$0x0], $0xffff;
	[tilespmem:s23+$0x130] =	vst v59  }
0x73: {  	v5 =	vadd.s32 s24, v51;
	v6 =	vld.idx.msk [tilespmem:v6+s9+$0x0], $0xffff;
	[tilespmem:s23+$0xFFFFFF30] =	vst v4  }
0x74: {  	v4 =	vadd.s32 s25, v51;
	[tilespmem:s23+$0xFFFFFFB0] =	vst v53;
	v60 =	vld.idx.msk [tilespmem:v8+s9+$0x0], $0xffff  }
0x75: {  	v53 =	vmul.u32 $0x131, v3;
	v3 =	vadd.s32 s28, v52;
	v55 =	vld.idx.msk [tilespmem:v9+s9+$0x0], $0xffff;
	[tilespmem:s23+$0x30] =	vst v57  }
0x76: {  	v9 =	vadd.s32 s21, v51;
	v58 =	vld.idx.msk [tilespmem:v58+s9+$0x0], $0xffff;
	[tilespmem:s23+$0x1C0] =	vst v56  }
0x77: {  	[tilespmem:s23+$0xB0] =	vst v2;
	v56 =	vld.idx.msk [tilespmem:v10+s9+$0x0], $0xffff;
	v10 =	vadd.s32 s29, v52  }
0x78: {  	v59 =	vadd.s32 s31, v52;
	[tilespmem:s23+$0xFFFFFE30] =	vst v11;
	v5 =	vld.idx.msk [tilespmem:v5+s9+$0x0], $0xffff  }
0x79: {  	[tilespmem:s23+$0xFFFFFEC0] =	vst v6;
	v6 =	vadd.s32 s24, v52;
	v2 =	vld.idx.msk [tilespmem:v4+s9+$0x0], $0xffff  }
0x7a: {  	v4 =	vadd.s32 s22, v53;
	v3 =	vld.idx.msk [tilespmem:v3+s9+$0x0], $0xffff;
	[tilespmem:s23+$0x140] =	vst v60  }
0x7b: {  	v11 =	vadd.s32 s25, v52;
	v61 =	vld.idx.msk [tilespmem:v9+s9+$0x0], $0xffff;
	[tilespmem:s23+$0xFFFFFF40] =	vst v55  }
0x7c: {  	v62 =	vadd.s32 s26, v52;
	[tilespmem:s23+$0xFFFFFFC0] =	vst v58;
	v57 =	vld.idx.msk [tilespmem:v10+s9+$0x0], $0xffff  }
0x7d: {  	v9 =	vadd.s32 s21, v52;
	[tilespmem:s23+$0x40] =	vst v5;
	v59 =	vld.idx.msk [tilespmem:v59+s9+$0x0], $0xffff  }
0x7e: {  	[tilespmem:s23+$0x1D0] =	vst v56;
	v10 =	vadd.s32 s28, v53;
	v5 =	vld.idx.msk [tilespmem:v6+s9+$0x0], $0xffff  }
0x7f: {  	v54 =	vmul.u32 $0x131, v54;
	[tilespmem:s23+$0xC0] =	vst v2;
	v6 =	vadd.s32 s29, v53;
	v4 =	vld.idx.msk [tilespmem:v4+s9+$0x0], $0xffff  }
0x80: {  	v55 =	vld.idx.msk [tilespmem:v11+s9+$0x0], $0xffff;
	v11 =	vadd.s32 s31, v53;
	[tilespmem:s23+$0xFFFFFED0] =	vst v3  }
0x81: {  	v2 =	vadd.s32 s22, v54;
	[tilespmem:s23+$0xFFFFFE40] =	vst v61;
	v61 =	vld.idx.msk [tilespmem:v62+s9+$0x0], $0xffff  }
0x82: {  	s22 =	simm.s32 $0x8;
	v3 =	vadd.s32 s24, v53;
	v56 =	vld.idx.msk [tilespmem:v9+s9+$0x0], $0xffff;
	[tilespmem:s23+$0xFFFFFF50] =	vst v57  }
0x83: {  	v7 =	vadd.s32 s22, v47;
	v58 =	vld.idx.msk [tilespmem:v10+s9+$0x0], $0xffff;
	[tilespmem:s23+$0xFFFFFFD0] =	vst v59  }
0x84: {  	[tilespmem:s23+$0x1E0] =	vst v4;
	v4 =	vadd.s32 s26, v53;
	v6 =	vld.idx.msk [tilespmem:v6+s9+$0x0], $0xffff  }
0x85: {  	v62 =	vadd.s32 s25, v53;
	v8 =	vld.idx.msk [tilespmem:v11+s9+$0x0], $0xffff  }
0x86: {  	v63 =	vadd.s32 s21, v53;
	[tilespmem:s23+$0x50] =	vst v5;
	v2 =	vld.idx.msk [tilespmem:v2+s9+$0x0], $0xffff  }
0x87: {  	v5 =	vadd.s32 s28, v54;
	v60 =	vld.idx.msk [tilespmem:v3+s9+$0x0], $0xffff;
	[tilespmem:s23+$0xD0] =	vst v55  }
0x88: {  	v9 =	vadd.s32 s29, v54;
	v55 =	vld.idx.msk [tilespmem:v7+s9+$0x0], $0xffff;
	[tilespmem:s23+$0x150] =	vst v61  }
0x89: {  	[tilespmem:s23+$0xFFFFFE50] =	vst v56;
	v57 =	vld.idx.msk [tilespmem:v4+s9+$0x0], $0xffff;
	v4 =	vadd.s32 s31, v54  }
0x8a: {  	v3 =	vadd.s32 s24, v54;
	v59 =	vld.idx.msk [tilespmem:v62+s9+$0x0], $0xffff;
	[tilespmem:s23+$0xFFFFFEE0] =	vst v58  }
0x8b: {  	v56 =	vld.idx.msk [tilespmem:v63+s9+$0x0], $0xffff;
	[tilespmem:s23+$0x1F0] =	vst v2;
	v2 =	vadd.s32 s25, v54  }
0x8c: {  	v63 =	vadd.s32 s26, v54;
	v58 =	vld.idx.msk [tilespmem:v5+s9+$0x0], $0xffff;
	[tilespmem:s23+$0xFFFFFF60] =	vst v6  }
0x8d: {  	s24 =	simm.s32 $0xF;
	v62 =	vadd.s32 s21, v54;
	[tilespmem:s23+$0xFFFFFFE0] =	vst v8;
	s25 =	simm.s32 $0x10;
	v61 =	vld.idx.msk [tilespmem:v9+s9+$0x0], $0xffff  }
.LBB2_3:
0x8e: {  	p1 =	slt.u32 s25, $0x120;
	s26 =	sadd.s32 $0x1, s22;
	v5 =	vadd.s32 s24, v47;
	v4 =	vld.idx.msk [tilespmem:v4+s9+$0x0], $0xffff;
	[tilespmem:s23+$0x60] =	vst v60  }
0x8f: {  	s28 =	sadd.s32 $0x2, s22;
	v6 =	vadd.s32 s26, v47;
	v3 =	vld.idx.msk [tilespmem:v3+s9+$0x0], $0xffff;
	[tilespmem:s23+$0xE0] =	vst v59  }
0x90: {  	s29 =	sadd.s32 $0x3, s22;
	v7 =	vadd.s32 s28, v47;
	v2 =	vld.idx.msk [tilespmem:v2+s9+$0x0], $0xffff;
	[tilespmem:s23+$0x160] =	vst v57  }
0x91: {  	s30 =	sadd.s32 $0x4, s22;
	v8 =	vadd.s32 s29, v47;
	[tilespmem:s23+$0xFFFFFE60] =	vst v56;
	v9 =	vld.idx.msk [tilespmem:v63+s9+$0x0], $0xffff  }
0x92: {  	s31 =	sadd.s32 $0x5, s22;
	v56 =	vadd.s32 s30, v47;
	v57 =	vld.idx.msk [tilespmem:v62+s9+$0x0], $0xffff;
	[tilespmem:s23+$0xFFFFFEF0] =	vst v58  }
0x93: {  	s1 =	sadd.s32 $0x6, s22;
	v58 =	vadd.s32 s31, v47;
	v5 =	vld.idx.msk [tilespmem:v5+s9+$0x0], $0xffff;
	[tilespmem:s23+$0xFFFFFF70] =	vst v61  }
0x94: {  	v59 =	vadd.s32 s1, v47;
	v6 =	vld.idx.msk [tilespmem:v6+s9+$0x0], $0xffff;
	[tilespmem:s23+$0xFFFFFFF0] =	vst v4  }
0x95: {  	v4 =	vld.idx.msk [tilespmem:v7+s9+$0x0], $0xffff;
	v7 =	vadd.s32 s24, v48;
	[tilespmem:s23+$0x70] =	vst v3  }
0x96: {  	v3 =	vadd.s32 s26, v48;
	v8 =	vld.idx.msk [tilespmem:v8+s9+$0x0], $0xffff;
	[tilespmem:s23+$0xF0] =	vst v2  }
0x97: {  	v2 =	vadd.s32 s28, v48;
	v56 =	vld.idx.msk [tilespmem:v56+s9+$0x0], $0xffff;
	[tilespmem:s23+$0x170] =	vst v9  }
0x98: {  	v9 =	vadd.s32 s29, v48;
	v58 =	vld.idx.msk [tilespmem:v58+s9+$0x0], $0xffff;
	[tilespmem:s23+$0xFFFFFE70] =	vst v57;
	s23 =	sadd.s32 $0x400, s23  }
0x99: {  	v57 =	vadd.s32 s30, v48;
	v59 =	vld.idx.msk [tilespmem:v59+s9+$0x0], $0xffff;
	[tilespmem:s23+$0x180] =	vst v5  }
0x9a: {  	v5 =	vadd.s32 s31, v48;
	[tilespmem:s23+$0xFFFFFE80] =	vst v6;
	v6 =	vld.idx.msk [tilespmem:v7+s9+$0x0], $0xffff  }
0x9b: {  	v3 =	vld.idx.msk [tilespmem:v3+s9+$0x0], $0xffff;
	[tilespmem:s23+$0xFFFFFF00] =	vst v4;
	v4 =	vadd.s32 s1, v48  }
0x9c: {  	v7 =	vadd.s32 s24, v49;
	v2 =	vld.idx.msk [tilespmem:v2+s9+$0x0], $0xffff;
	[tilespmem:s23+$0xFFFFFF80] =	vst v8  }
0x9d: {  	v8 =	vadd.s32 s22, v48;
	v9 =	vld.idx.msk [tilespmem:v9+s9+$0x0], $0xffff;
	[tilespmem:s23+$0x0] =	vst v56  }
0x9e: {  	v56 =	vadd.s32 s26, v49;
	v57 =	vld.idx.msk [tilespmem:v57+s9+$0x0], $0xffff;
	[tilespmem:s23+$0x80] =	vst v58  }
0x9f: {  	v58 =	vadd.s32 s28, v49;
	v5 =	vld.idx.msk [tilespmem:v5+s9+$0x0], $0xffff;
	[tilespmem:s23+$0x100] =	vst v59  }
0xa0: {  	v59 =	vadd.s32 s29, v49;
	v4 =	vld.idx.msk [tilespmem:v4+s9+$0x0], $0xffff;
	[tilespmem:s23+$0x190] =	vst v6  }
0xa1: {  	v6 =	vadd.s32 s30, v49;
	[tilespmem:s23+$0xFFFFFE00] =	vst v55;
	v7 =	vld.idx.msk [tilespmem:v7+s9+$0x0], $0xffff  }
0xa2: {  	v8 =	vld.idx.msk [tilespmem:v8+s9+$0x0], $0xffff;
	[tilespmem:s23+$0xFFFFFE90] =	vst v3;
	v3 =	vadd.s32 s31, v49  }
0xa3: {  	v55 =	vld.idx.msk [tilespmem:v56+s9+$0x0], $0xffff;
	[tilespmem:s23+$0xFFFFFF10] =	vst v2;
	v2 =	vadd.s32 s24, v50  }
0xa4: {  	v56 =	vld.idx.msk [tilespmem:v58+s9+$0x0], $0xffff;
	[tilespmem:s23+$0xFFFFFF90] =	vst v9;
	v9 =	vadd.s32 s1, v49  }
0xa5: {  	v58 =	vadd.s32 s22, v49;
	v59 =	vld.idx.msk [tilespmem:v59+s9+$0x0], $0xffff;
	[tilespmem:s23+$0x10] =	vst v57  }
0xa6: {  	v57 =	vadd.s32 s26, v50;
	v6 =	vld.idx.msk [tilespmem:v6+s9+$0x0], $0xffff;
	[tilespmem:s23+$0x90] =	vst v5  }
0xa7: {  	v5 =	vadd.s32 s28, v50;
	v3 =	vld.idx.msk [tilespmem:v3+s9+$0x0], $0xffff;
	[tilespmem:s23+$0x1A0] =	vst v7  }
0xa8: {  	v7 =	vadd.s32 s29, v50;
	[tilespmem:s23+$0x110] =	vst v4;
	v2 =	vld.idx.msk [tilespmem:v2+s9+$0x0], $0xffff  }
0xa9: {  	v4 =	vadd.s32 s30, v50;
	[tilespmem:s23+$0xFFFFFE10] =	vst v8;
	v8 =	vld.idx.msk [tilespmem:v9+s9+$0x0], $0xffff  }
0xaa: {  	v9 =	vld.idx.msk [tilespmem:v58+s9+$0x0], $0xffff;
	[tilespmem:s23+$0xFFFFFEA0] =	vst v55;
	v55 =	vadd.s32 s24, v51  }
0xab: {  	v57 =	vld.idx.msk [tilespmem:v57+s9+$0x0], $0xffff;
	[tilespmem:s23+$0xFFFFFF20] =	vst v56;
	v56 =	vadd.s32 s31, v50  }
0xac: {  	v58 =	vadd.s32 s1, v50;
	v5 =	vld.idx.msk [tilespmem:v5+s9+$0x0], $0xffff;
	[tilespmem:s23+$0xFFFFFFA0] =	vst v59  }
0xad: {  	v59 =	vadd.s32 s22, v50;
	v7 =	vld.idx.msk [tilespmem:v7+s9+$0x0], $0xffff;
	[tilespmem:s23+$0x20] =	vst v6  }
0xae: {  	v6 =	vadd.s32 s26, v51;
	v4 =	vld.idx.msk [tilespmem:v4+s9+$0x0], $0xffff;
	[tilespmem:s23+$0x1B0] =	vst v2  }
0xaf: {  	v2 =	vadd.s32 s28, v51;
	[tilespmem:s23+$0xA0] =	vst v3;
	v3 =	vld.idx.msk [tilespmem:v55+s9+$0x0], $0xffff  }
0xb0: {  	v55 =	vadd.s32 s29, v51;
	v56 =	vld.idx.msk [tilespmem:v56+s9+$0x0], $0xffff;
	[tilespmem:s23+$0x120] =	vst v8  }
0xb1: {  	[tilespmem:s23+$0xFFFFFE20] =	vst v9;
	v8 =	vld.idx.msk [tilespmem:v58+s9+$0x0], $0xffff;
	v9 =	vadd.s32 s24, v52  }
0xb2: {  	v58 =	vld.idx.msk [tilespmem:v59+s9+$0x0], $0xffff;
	[tilespmem:s23+$0xFFFFFEB0] =	vst v57;
	v57 =	vadd.s32 s30, v51  }
0xb3: {  	v6 =	vld.idx.msk [tilespmem:v6+s9+$0x0], $0xffff;
	[tilespmem:s23+$0xFFFFFF30] =	vst v5;
	v5 =	vadd.s32 s31, v51  }
0xb4: {  	v2 =	vld.idx.msk [tilespmem:v2+s9+$0x0], $0xffff;
	[tilespmem:s23+$0xFFFFFFB0] =	vst v7;
	v7 =	vadd.s32 s1, v51  }
0xb5: {  	v59 =	vadd.s32 s22, v51;
	v55 =	vld.idx.msk [tilespmem:v55+s9+$0x0], $0xffff;
	[tilespmem:s23+$0x1C0] =	vst v3  }
0xb6: {  	v3 =	vadd.s32 s26, v52;
	[tilespmem:s23+$0x30] =	vst v4;
	v4 =	vld.idx.msk [tilespmem:v9+s9+$0x0], $0xffff  }
0xb7: {  	v9 =	vadd.s32 s28, v52;
	v57 =	vld.idx.msk [tilespmem:v57+s9+$0x0], $0xffff;
	[tilespmem:s23+$0xB0] =	vst v56  }
0xb8: {  	v5 =	vld.idx.msk [tilespmem:v5+s9+$0x0], $0xffff;
	[tilespmem:s23+$0x130] =	vst v8;
	v8 =	vadd.s32 s24, v53  }
0xb9: {  	v56 =	vadd.s32 s29, v52;
	[tilespmem:s23+$0xFFFFFE30] =	vst v58;
	v7 =	vld.idx.msk [tilespmem:v7+s9+$0x0], $0xffff  }
0xba: {  	v58 =	vld.idx.msk [tilespmem:v59+s9+$0x0], $0xffff;
	[tilespmem:s23+$0xFFFFFEC0] =	vst v6;
	v6 =	vadd.s32 s30, v52  }
0xbb: {  	v3 =	vld.idx.msk [tilespmem:v3+s9+$0x0], $0xffff;
	[tilespmem:s23+$0xFFFFFF40] =	vst v2;
	v2 =	vadd.s32 s31, v52  }
0xbc: {  	v59 =	vadd.s32 s1, v52;
	v9 =	vld.idx.msk [tilespmem:v9+s9+$0x0], $0xffff;
	[tilespmem:s23+$0x1D0] =	vst v4  }
0xbd: {  	v4 =	vadd.s32 s22, v52;
	[tilespmem:s23+$0xFFFFFFC0] =	vst v55;
	v8 =	vld.idx.msk [tilespmem:v8+s9+$0x0], $0xffff  }
0xbe: {  	v55 =	vadd.s32 s26, v53;
	v56 =	vld.idx.msk [tilespmem:v56+s9+$0x0], $0xffff;
	[tilespmem:s23+$0x40] =	vst v57  }
0xbf: {  	v6 =	vld.idx.msk [tilespmem:v6+s9+$0x0], $0xffff;
	[tilespmem:s23+$0xC0] =	vst v5;
	v5 =	vadd.s32 s24, v54  }
0xc0: {  	v57 =	vadd.s32 s28, v53;
	v2 =	vld.idx.msk [tilespmem:v2+s9+$0x0], $0xffff;
	[tilespmem:s23+$0x140] =	vst v7  }
0xc1: {  	v7 =	vadd.s32 s29, v53;
	[tilespmem:s23+$0xFFFFFE40] =	vst v58;
	v58 =	vld.idx.msk [tilespmem:v59+s9+$0x0], $0xffff  }
0xc2: {  	v4 =	vld.idx.msk [tilespmem:v4+s9+$0x0], $0xffff;
	[tilespmem:s23+$0xFFFFFED0] =	vst v3;
	v3 =	vadd.s32 s30, v53  }
0xc3: {  	v61 =	vld.idx.msk [tilespmem:v55+s9+$0x0], $0xffff;
	v55 =	vadd.s32 s31, v53;
	[tilespmem:s23+$0x1E0] =	vst v8  }
0xc4: {  	v8 =	vadd.s32 s1, v53;
	[tilespmem:s23+$0xFFFFFF50] =	vst v9;
	v5 =	vld.idx.msk [tilespmem:v5+s9+$0x0], $0xffff  }
0xc5: {  	v9 =	vadd.s32 s22, v53;
	v62 =	vld.idx.msk [tilespmem:v57+s9+$0x0], $0xffff;
	[tilespmem:s23+$0xFFFFFFD0] =	vst v56  }
0xc6: {  	v63 =	vadd.s32 s25, v47;
	v7 =	vld.idx.msk [tilespmem:v7+s9+$0x0], $0xffff;
	[tilespmem:s23+$0x50] =	vst v6  }
0xc7: {  	v6 =	vadd.s32 s26, v54;
	v60 =	vld.idx.msk [tilespmem:v3+s9+$0x0], $0xffff;
	[tilespmem:s23+$0xD0] =	vst v2  }
0xc8: {  	v10 =	vadd.s32 s28, v54;
	v59 =	vld.idx.msk [tilespmem:v55+s9+$0x0], $0xffff;
	[tilespmem:s23+$0x150] =	vst v58  }
.Ltmp0:
0xc9: {  	[tilespmem:s23+$0xFFFFFE50] =	vst v4;
	v4 =	vadd.s32 s29, v54;
	v57 =	vld.idx.msk [tilespmem:v8+s9+$0x0], $0xffff;
	(pc) =	sbr.rel @p1 .LBB2_3-.Ltmp0, $4  }
0xca: {  	v3 =	vadd.s32 s30, v54;
	v56 =	vld.idx.msk [tilespmem:v9+s9+$0x0], $0xffff;
	[tilespmem:s23+$0x1F0] =	vst v5  }
0xcb: {  	v2 =	vadd.s32 s31, v54;
	v55 =	vld.idx.msk [tilespmem:v63+s9+$0x0], $0xffff;
	[tilespmem:s23+$0xFFFFFEE0] =	vst v61  }
0xcc: {  	v63 =	vadd.s32 s1, v54;
	v58 =	vld.idx.msk [tilespmem:v6+s9+$0x0], $0xffff;
	[tilespmem:s23+$0xFFFFFF60] =	vst v62  }
0xcd: {  	s24 =	sadd.s32 $0x7, s25;
	v62 =	vadd.s32 s22, v54;
	s22 =	smov.u32 s25;
	s25 =	sadd.s32 $0x8, s25;
	v61 =	vld.idx.msk [tilespmem:v10+s9+$0x0], $0xffff;
	[tilespmem:s23+$0xFFFFFFE0] =	vst v7  }
0xce: {  	_ =	sdelay $0x2  }
0xcf: {  	[tilespmem:s23+$0x60] =	vst v60  }
0xd0: {  	s1 =	sadd.s32 $0x1, s22;
	v5 =	vadd.s32 s24, v47;
	v4 =	vld.idx.msk [tilespmem:v4+s9+$0x0], $0xffff;
	[tilespmem:s23+$0xE0] =	vst v59  }
0xd1: {  	s25 =	sadd.s32 $0x2, s22;
	[tilespmem:s23+$0x160] =	vst v57;
	v6 =	vadd.s32 s1, v47;
	v3 =	vld.idx.msk [tilespmem:v3+s9+$0x0], $0xffff  }
0xd2: {  	s26 =	sadd.s32 $0x3, s22;
	s31 =	sadd.s32 $0x400, s23;
	v7 =	vadd.s32 s25, v47;
	v2 =	vld.idx.msk [tilespmem:v2+s9+$0x0], $0xffff;
	[tilespmem:s23+$0xFFFFFE60] =	vst v56  }
0xd3: {  	s28 =	sadd.s32 $0x4, s22;
	v8 =	vadd.s32 s26, v47;
	v9 =	vld.idx.msk [tilespmem:v63+s9+$0x0], $0xffff;
	[tilespmem:s31+$0xFFFFFE00] =	vst v55  }
0xd4: {  	s30 =	sadd.s32 $0x6, s22;
	v10 =	vadd.s32 s28, v47;
	v56 =	vld.idx.msk [tilespmem:v62+s9+$0x0], $0xffff;
	[tilespmem:s23+$0xFFFFFEF0] =	vst v58  }
0xd5: {  	s29 =	sadd.s32 $0x5, s22;
	v63 =	vadd.s32 s30, v47;
	[tilespmem:s23+$0xFFFFFF70] =	vst v61;
	v5 =	vld.idx.msk [tilespmem:v5+s9+$0x0], $0xffff  }
0xd6: {  	v62 =	vadd.s32 s29, v47;
	[tilespmem:s23+$0xFFFFFFF0] =	vst v4;
	v4 =	vld.idx.msk [tilespmem:v6+s9+$0x0], $0xffff  }
0xd7: {  	[tilespmem:s23+$0x70] =	vst v3;
	v3 =	vld.idx.msk [tilespmem:v7+s9+$0x0], $0xffff  }
0xd8: {  	v7 =	vadd.s32 s24, v48;
	[tilespmem:s23+$0xF0] =	vst v2;
	v2 =	vld.idx.msk [tilespmem:v8+s9+$0x0], $0xffff  }
0xd9: {  	[tilespmem:s23+$0x170] =	vst v9;
	v8 =	vadd.s32 s1, v48;
	v9 =	vld.idx.msk [tilespmem:v10+s9+$0x0], $0xffff  }
0xda: {  	v60 =	vadd.s32 s25, v48;
	v6 =	vld.idx.msk [tilespmem:v63+s9+$0x0], $0xffff;
	[tilespmem:s23+$0xFFFFFE70] =	vst v56  }
0xdb: {  	v61 =	vld.idx.msk [tilespmem:v62+s9+$0x0], $0xffff;
	v62 =	vadd.s32 s26, v48;
	[tilespmem:s31+$0x180] =	vst v5  }
0xdc: {  	v63 =	vadd.s32 s28, v48;
	[tilespmem:s31+$0xFFFFFE80] =	vst v4  }
0xdd: {  	v7 =	vld.idx.msk [tilespmem:v7+s9+$0x0], $0xffff;
	[tilespmem:s31+$0xFFFFFF00] =	vst v3;
	v3 =	vadd.s32 s29, v48  }
0xde: {  	[tilespmem:s31+$0xFFFFFF80] =	vst v2;
	v2 =	vld.idx.msk [tilespmem:v8+s9+$0x0], $0xffff;
	v8 =	vadd.s32 s24, v49  }
0xdf: {  	[tilespmem:s31+$0x0] =	vst v9;
	v9 =	vadd.s32 s30, v48;
	v10 =	vld.idx.msk [tilespmem:v60+s9+$0x0], $0xffff  }
0xe0: {  	[tilespmem:s31+$0x100] =	vst v6;
	v60 =	vadd.s32 s22, v48;
	v5 =	vld.idx.msk [tilespmem:v62+s9+$0x0], $0xffff  }
0xe1: {  	[tilespmem:s31+$0x80] =	vst v61;
	v61 =	vadd.s32 s1, v49;
	v4 =	vld.idx.msk [tilespmem:v63+s9+$0x0], $0xffff  }
0xe2: {  	v62 =	vadd.s32 s25, v49;
	[tilespmem:s31+$0x190] =	vst v7;
	v3 =	vld.idx.msk [tilespmem:v3+s9+$0x0], $0xffff  }
0xe3: {  	v63 =	vadd.s32 s26, v49;
	v8 =	vld.idx.msk [tilespmem:v8+s9+$0x0], $0xffff;
	[tilespmem:s31+$0xFFFFFE90] =	vst v2  }
0xe4: {  	v2 =	vld.idx.msk [tilespmem:v9+s9+$0x0], $0xffff;
	v9 =	vadd.s32 s28, v49;
	[tilespmem:s31+$0xFFFFFF10] =	vst v10  }
0xe5: {  	v10 =	vld.idx.msk [tilespmem:v60+s9+$0x0], $0xffff;
	[tilespmem:s31+$0xFFFFFF90] =	vst v5;
	v60 =	vadd.s32 s29, v49  }
0xe6: {  	v56 =	vadd.s32 s24, v50;
	[tilespmem:s31+$0x10] =	vst v4;
	v6 =	vld.idx.msk [tilespmem:v61+s9+$0x0], $0xffff  }
0xe7: {  	v61 =	vld.idx.msk [tilespmem:v62+s9+$0x0], $0xffff;
	v62 =	vadd.s32 s30, v49;
	[tilespmem:s31+$0x90] =	vst v3  }
0xe8: {  	v55 =	vld.idx.msk [tilespmem:v63+s9+$0x0], $0xffff;
	v63 =	vadd.s32 s1, v50;
	[tilespmem:s31+$0x1A0] =	vst v8  }
0xe9: {  	v3 =	vadd.s32 s22, v49;
	v9 =	vld.idx.msk [tilespmem:v9+s9+$0x0], $0xffff;
	[tilespmem:s31+$0x110] =	vst v2  }
0xea: {  	v2 =	vadd.s32 s25, v50;
	[tilespmem:s31+$0xFFFFFE10] =	vst v10;
	v5 =	vld.idx.msk [tilespmem:v60+s9+$0x0], $0xffff  }
0xeb: {  	v60 =	vadd.s32 s26, v50;
	v56 =	vld.idx.msk [tilespmem:v56+s9+$0x0], $0xffff;
	[tilespmem:s31+$0xFFFFFEA0] =	vst v6  }
0xec: {  	v6 =	vld.idx.msk [tilespmem:v62+s9+$0x0], $0xffff;
	[tilespmem:s31+$0xFFFFFF20] =	vst v61;
	v61 =	vadd.s32 s28, v50  }
0xed: {  	v7 =	vadd.s32 s24, v51;
	[tilespmem:s31+$0xFFFFFFA0] =	vst v55;
	v8 =	vld.idx.msk [tilespmem:v63+s9+$0x0], $0xffff  }
0xee: {  	v62 =	vadd.s32 s29, v50;
	v3 =	vld.idx.msk [tilespmem:v3+s9+$0x0], $0xffff;
	[tilespmem:s31+$0x20] =	vst v9  }
0xef: {  	v2 =	vld.idx.msk [tilespmem:v2+s9+$0x0], $0xffff;
	v9 =	vadd.s32 s30, v50;
	[tilespmem:s31+$0xA0] =	vst v5  }
0xf0: {  	v63 =	vadd.s32 s22, v50;
	v10 =	vld.idx.msk [tilespmem:v60+s9+$0x0], $0xffff;
	[tilespmem:s31+$0x1B0] =	vst v56  }
0xf1: {  	v60 =	vadd.s32 s1, v51;
	[tilespmem:s31+$0x120] =	vst v6;
	v4 =	vld.idx.msk [tilespmem:v61+s9+$0x0], $0xffff  }
0xf2: {  	v6 =	vadd.s32 s25, v51;
	v7 =	vld.idx.msk [tilespmem:v7+s9+$0x0], $0xffff;
	[tilespmem:s31+$0xFFFFFEB0] =	vst v8  }
0xf3: {  	v61 =	vadd.s32 s24, v52;
	[tilespmem:s31+$0xFFFFFE20] =	vst v3;
	v3 =	vld.idx.msk [tilespmem:v62+s9+$0x0], $0xffff  }
0xf4: {  	v62 =	vadd.s32 s26, v51;
	v9 =	vld.idx.msk [tilespmem:v9+s9+$0x0], $0xffff;
	[tilespmem:s31+$0xFFFFFF30] =	vst v2  }
0xf5: {  	v2 =	vld.idx.msk [tilespmem:v63+s9+$0x0], $0xffff;
	v63 =	vadd.s32 s28, v51;
	[tilespmem:s31+$0xFFFFFFB0] =	vst v10  }
0xf6: {  	v5 =	vld.idx.msk [tilespmem:v60+s9+$0x0], $0xffff;
	v60 =	vadd.s32 s29, v51;
	[tilespmem:s31+$0x30] =	vst v4  }
0xf7: {  	v6 =	vld.idx.msk [tilespmem:v6+s9+$0x0], $0xffff;
	v4 =	vadd.s32 s22, v51;
	[tilespmem:s31+$0x1C0] =	vst v7  }
0xf8: {  	v7 =	vadd.s32 s30, v51;
	v55 =	vld.idx.msk [tilespmem:v61+s9+$0x0], $0xffff;
	[tilespmem:s31+$0xB0] =	vst v3  }
0xf9: {  	v61 =	vadd.s32 s1, v52;
	v3 =	vld.idx.msk [tilespmem:v62+s9+$0x0], $0xffff;
	[tilespmem:s31+$0x130] =	vst v9  }
0xfa: {  	v62 =	vld.idx.msk [tilespmem:v63+s9+$0x0], $0xffff;
	v63 =	vadd.s32 s24, v53;
	[tilespmem:s31+$0xFFFFFE30] =	vst v2  }
0xfb: {  	v2 =	vadd.s32 s25, v52;
	v10 =	vld.idx.msk [tilespmem:v60+s9+$0x0], $0xffff;
	[tilespmem:s31+$0xFFFFFEC0] =	vst v5  }
0xfc: {  	v60 =	vadd.s32 s26, v52;
	[tilespmem:s31+$0xFFFFFF40] =	vst v6;
	v4 =	vld.idx.msk [tilespmem:v4+s9+$0x0], $0xffff  }
0xfd: {  	v6 =	vadd.s32 s28, v52;
	v7 =	vld.idx.msk [tilespmem:v7+s9+$0x0], $0xffff;
	[tilespmem:s31+$0x1D0] =	vst v55  }
0xfe: {  	v8 =	vld.idx.msk [tilespmem:v61+s9+$0x0], $0xffff;
	v61 =	vadd.s32 s29, v52;
	[tilespmem:s31+$0xFFFFFFC0] =	vst v3  }
0xff: {  	v3 =	vadd.s32 s30, v52;
	v56 =	vld.idx.msk [tilespmem:v63+s9+$0x0], $0xffff;
	[tilespmem:s31+$0x40] =	vst v62  }
0x100: {  	v2 =	vld.idx.msk [tilespmem:v2+s9+$0x0], $0xffff;
	v62 =	vadd.s32 s22, v52;
	[tilespmem:s31+$0xC0] =	vst v10  }
0x101: {  	v5 =	vld.idx.msk [tilespmem:v60+s9+$0x0], $0xffff;
	v60 =	vadd.s32 s1, v53;
	[tilespmem:s31+$0xFFFFFE40] =	vst v4  }
0x102: {  	v63 =	vadd.s32 s24, v54;
	v6 =	vld.idx.msk [tilespmem:v6+s9+$0x0], $0xffff;
	[tilespmem:s31+$0x140] =	vst v7  }
0x103: {  	v4 =	vadd.s32 s25, v53;
	v55 =	vld.idx.msk [tilespmem:v61+s9+$0x0], $0xffff;
	[tilespmem:s31+$0xFFFFFED0] =	vst v8  }
0x104: {  	v61 =	vadd.s32 s26, v53;
	v3 =	vld.idx.msk [tilespmem:v3+s9+$0x0], $0xffff;
	[tilespmem:s31+$0x1E0] =	vst v56  }
0x105: {  	v9 =	vld.idx.msk [tilespmem:v62+s9+$0x0], $0xffff;
	v56 =	vadd.s32 s28, v53;
	[tilespmem:s31+$0xFFFFFF50] =	vst v2  }
0x106: {  	v2 =	vadd.s32 s29, v53;
	[tilespmem:s31+$0xFFFFFFD0] =	vst v5;
	v62 =	vld.idx.msk [tilespmem:v60+s9+$0x0], $0xffff  }
0x107: {  	v10 =	vld.idx.msk [tilespmem:v63+s9+$0x0], $0xffff;
	v63 =	vadd.s32 s30, v53;
	[tilespmem:s31+$0x50] =	vst v6  }
0x108: {  	v60 =	vadd.s32 s22, v53;
	v4 =	vld.idx.msk [tilespmem:v4+s9+$0x0], $0xffff;
	[tilespmem:s31+$0xD0] =	vst v55  }
0x109: {  	v8 =	vld.idx.msk [tilespmem:v61+s9+$0x0], $0xffff;
	v61 =	vadd.s32 s1, v54;
	[tilespmem:s31+$0x150] =	vst v3  }
0x10a: {  	v3 =	vld.idx.msk [tilespmem:v56+s9+$0x0], $0xffff;
	v56 =	vadd.s32 s25, v54;
	[tilespmem:s31+$0xFFFFFE50] =	vst v9  }
0x10b: {  	v2 =	vld.idx.msk [tilespmem:v2+s9+$0x0], $0xffff;
	v9 =	vadd.s32 s26, v54;
	[tilespmem:s31+$0xFFFFFEE0] =	vst v62  }
0x10c: {  	[tilespmem:s31+$0x1F0] =	vst v10;
	v7 =	vld.idx.msk [tilespmem:v63+s9+$0x0], $0xffff;
	v10 =	vadd.s32 s28, v54  }
0x10d: {  	v62 =	vadd.s32 s29, v54;
	v5 =	vld.idx.msk [tilespmem:v60+s9+$0x0], $0xffff;
	[tilespmem:s31+$0xFFFFFF60] =	vst v4  }
0x10e: {  	v60 =	vadd.s32 s30, v54;
	v63 =	vld.idx.msk [tilespmem:v61+s9+$0x0], $0xffff;
	[tilespmem:s31+$0xFFFFFFE0] =	vst v8  }
0x10f: {  	v61 =	vadd.s32 s22, v54;
	v56 =	vld.idx.msk [tilespmem:v56+s9+$0x0], $0xffff;
	[tilespmem:s31+$0x60] =	vst v3  }
0x110: {  	v3 =	vld.idx.msk [tilespmem:v9+s9+$0x0], $0xffff;
	[tilespmem:s31+$0xE0] =	vst v2  }
0x111: {  	v2 =	vld.idx.msk [tilespmem:v10+s9+$0x0], $0xffff;
	[tilespmem:s31+$0x160] =	vst v7  }
0x112: {  	v6 =	vld.idx.msk [tilespmem:v62+s9+$0x0], $0xffff;
	[tilespmem:s31+$0xFFFFFE60] =	vst v5  }
0x113: {  	v62 =	vld.idx.msk [tilespmem:v60+s9+$0x0], $0xffff;
	[tilespmem:s31+$0xFFFFFEF0] =	vst v63  }
0x114: {  	v63 =	vld.idx.msk [tilespmem:v61+s9+$0x0], $0xffff;
	[tilespmem:s31+$0xFFFFFF70] =	vst v56  }
0x115: {  	[tilespmem:s31+$0xFFFFFFF0] =	vst v3  }
0x116: {  	[tilespmem:s31+$0x70] =	vst v2  }
0x117: {  	[tilespmem:s31+$0xF0] =	vst v6  }
0x118: {  	[tilespmem:s31+$0x170] =	vst v62  }
0x119: {  	s1 =	simm.s32 $0x128;
	[tilespmem:s31+$0xFFFFFE70] =	vst v63  }
.LBB2_5:
0x11a: {  	v2 =	vadd.s32 s1, v47;
	_ =	sdelay $0x4  }
0x11b: {  	v2 =	vld.idx.msk [tilespmem:v2+s9+$0x0], $0xffff  }
0x11c: {  	v3 =	vadd.s32 s1, v48;
	_ =	sdelay $0x2  }
0x11d: {  	s22 =	sshra.s32 s21, $0x2  }
0x11e: {  	[tilespmem:s22+$0xB800] =	vst v2  }
0x11f: {  	v2 =	vld.idx.msk [tilespmem:v3+s9+$0x0], $0xffff  }
0x120: {  	v3 =	vadd.s32 s1, v49;
	_ =	sdelay $0x3  }
0x121: {  	[tilespmem:s22+$0xB810] =	vst v2  }
0x122: {  	v2 =	vld.idx.msk [tilespmem:v3+s9+$0x0], $0xffff  }
0x123: {  	v3 =	vadd.s32 s1, v50;
	_ =	sdelay $0x3  }
0x124: {  	[tilespmem:s22+$0xB820] =	vst v2  }
0x125: {  	v2 =	vld.idx.msk [tilespmem:v3+s9+$0x0], $0xffff  }
0x126: {  	v3 =	vadd.s32 s1, v51;
	_ =	sdelay $0x3  }
0x127: {  	[tilespmem:s22+$0xB830] =	vst v2  }
0x128: {  	v2 =	vld.idx.msk [tilespmem:v3+s9+$0x0], $0xffff  }
0x129: {  	v3 =	vadd.s32 s1, v52;
	_ =	sdelay $0x3  }
0x12a: {  	[tilespmem:s22+$0xB840] =	vst v2  }
0x12b: {  	v2 =	vld.idx.msk [tilespmem:v3+s9+$0x0], $0xffff  }
0x12c: {  	v3 =	vadd.s32 s1, v53;
	_ =	sdelay $0x3  }
0x12d: {  	[tilespmem:s22+$0xB850] =	vst v2  }
0x12e: {  	v2 =	vld.idx.msk [tilespmem:v3+s9+$0x0], $0xffff  }
0x12f: {  	v3 =	vadd.s32 s1, v54;
	_ =	sdelay $0x3  }
0x130: {  	[tilespmem:s22+$0xB860] =	vst v2  }
0x131: {  	p1 =	sne.s32 s21, $0x600;
	v2 =	vld.idx.msk [tilespmem:v3+s9+$0x0], $0xffff  }
.Ltmp1:
0x132: {  	_ = 	snop;
	(pc) =	sbr.rel @p1 .LBB2_5-.Ltmp1, $2  }
0x133: {  	_ =	sdelay $0x2  }
0x134: {  	s21 =	sadd.s32 $0x200, s21;
	s1 =	sadd.s32 $0x1, s1;
	[tilespmem:s22+$0xB870] =	vst v2  }
0x135: {  	s1 =	smul.u32 $0x4C000, s19;
	_ =	sdelay $0x1  }
0x136: {  	s1 =	sadd.s32 s2, s1  }
0x137: {  	s1 =	sadd.s32 s6, s1  }
0x138: {  	[hbm4b:s1+s10] =	stream.strided.scatter [tilespmem:s12], [sflag:$0x1], $0x9400, s11, s10, $0x38;
	[tilespmem:$0x15400] =	vst v63  }
0x139: {  	s20 =	sor.u32 $0x1, s20;
	s1 =	sadd.s32 $0x25000, s1  }
0x13a: {  	v2 =	vadd.s32 s20, v34;
	[hbm4b:s1+s3] =	stream.linear.scatter [tilespmem:s13], [sflag:$0x1], $0x200, $0x38;
	[tilespmem:$0x15400] =	vst v63  }
0x13b: {  	s1 =	simm.s32 @!p0 $0x2  }
0x13c: {  	_ =	swait.ge @!p0 [sflag:s1], $0x9600  }
0x13d: {  	[sflag:s1] =	ssyncset.done @!p0 $0x0  }
0x13e: {  	s21 =	simm.s32 $0x0;
	[sflag:s1] =	ssyncadd.s32 @!p0 $0xFFFF6A00  }
0x13f: {  	v4 =	vadd.s32 s20, v41;
	v2 =	vld.idx.msk [tilespmem:v2+s21+$0x0], $0xffff  }
0x140: {  	v3 =	vadd.s32 s20, v40  }
0x141: {  	v5 =	vadd.s32 s20, v42  }
0x142: {  	v6 =	vadd.s32 s20, v43  }
0x143: {  	v7 =	vadd.s32 s20, v44  }
0x144: {  	v8 =	vadd.s32 s20, v46;
	v4 =	vld.idx.msk [tilespmem:v4+s21+$0x0], $0xffff;
	v47 =	vmul.u32 $0x131, v2  }
0x145: {  	v2 =	vld.idx.msk [tilespmem:v3+s21+$0x0], $0xffff;
	v3 =	vadd.s32 s20, v45  }
0x146: {  	s22 =	simm.s32 $0x7;
	v5 =	vld.idx.msk [tilespmem:v5+s21+$0x0], $0xffff;
	v9 =	vadd.s32 s21, v47  }
0x147: {  	s28 =	simm.s32 $0x1;
	v6 =	vld.idx.msk [tilespmem:v6+s21+$0x0], $0xffff;
	v10 =	vadd.s32 s22, v47  }
0x148: {  	s29 =	simm.s32 $0x2;
	v7 =	vld.idx.msk [tilespmem:v7+s21+$0x0], $0xffff;
	v49 =	vadd.s32 s28, v47  }
0x149: {  	s31 =	simm.s32 $0x3;
	v54 =	vld.idx.msk [tilespmem:v8+s21+$0x0], $0xffff;
	v50 =	vadd.s32 s29, v47  }
0x14a: {  	s24 =	simm.s32 $0x4;
	v60 =	vadd.s32 s31, v47;
	v3 =	vld.idx.msk [tilespmem:v3+s21+$0x0], $0xffff  }
0x14b: {  	s26 =	simm.s32 $0x6;
	v51 =	vadd.s32 s24, v47;
	v9 =	vld.idx.msk [tilespmem:v9+s9+$0x0], $0xffff  }
0x14c: {  	s25 =	simm.s32 $0x5;
	v61 =	vadd.s32 s26, v47;
	v48 =	vmul.u32 $0x131, v2;
	v10 =	vld.idx.msk [tilespmem:v10+s9+$0x0], $0xffff  }
0x14d: {  	v2 =	vadd.s32 s25, v47;
	v52 =	vld.idx.msk [tilespmem:v49+s9+$0x0], $0xffff  }
0x14e: {  	v50 =	vld.idx.msk [tilespmem:v50+s9+$0x0], $0xffff;
	v53 =	vadd.s32 s22, v48  }
0x14f: {  	v55 =	vadd.s32 s28, v48;
	v8 =	vld.idx.msk [tilespmem:v60+s9+$0x0], $0xffff  }
0x150: {  	s23 =	simm.s32 $0xBFF0;
	v56 =	vadd.s32 s29, v48;
	v51 =	vld.idx.msk [tilespmem:v51+s9+$0x0], $0xffff  }
0x151: {  	v57 =	vadd.s32 s31, v48;
	v59 =	vld.idx.msk [tilespmem:v61+s9+$0x0], $0xffff;
	[tilespmem:s23+$0xFFFFFF90] =	vst v10  }
0x152: {  	v58 =	vadd.s32 s24, v48;
	v2 =	vld.idx.msk [tilespmem:v2+s9+$0x0], $0xffff;
	[tilespmem:s23+$0xFFFFFC90] =	vst v52  }
0x153: {  	v62 =	vadd.s32 s21, v48;
	[tilespmem:s23+$0xFFFFFD10] =	vst v50;
	v10 =	vld.idx.msk [tilespmem:v53+s9+$0x0], $0xffff  }
0x154: {  	v49 =	vmul.u32 $0x131, v4;
	v4 =	vadd.s32 s25, v48;
	[tilespmem:s23+$0xFFFFFD90] =	vst v8;
	v52 =	vld.idx.msk [tilespmem:v55+s9+$0x0], $0xffff  }
0x155: {  	v50 =	vadd.s32 s26, v48;
	[tilespmem:s23+$0xFFFFFE10] =	vst v51;
	v53 =	vld.idx.msk [tilespmem:v56+s9+$0x0], $0xffff  }
0x156: {  	v8 =	vadd.s32 s22, v49;
	[tilespmem:s23+$0xFFFFFF10] =	vst v59;
	v63 =	vld.idx.msk [tilespmem:v57+s9+$0x0], $0xffff  }
0x157: {  	v60 =	vadd.s32 s28, v49;
	[tilespmem:s23+$0xFFFFFC10] =	vst v9;
	v57 =	vld.idx.msk [tilespmem:v58+s9+$0x0], $0xffff  }
0x158: {  	v61 =	vadd.s32 s31, v49;
	v9 =	vld.idx.msk [tilespmem:v62+s9+$0x0], $0xffff;
	[tilespmem:s23+$0xFFFFFE90] =	vst v2  }
0x159: {  	v2 =	vadd.s32 s29, v49;
	v4 =	vld.idx.msk [tilespmem:v4+s9+$0x0], $0xffff;
	[tilespmem:s23+$0xFFFFFFA0] =	vst v10  }
0x15a: {  	v59 =	vld.idx.msk [tilespmem:v50+s9+$0x0], $0xffff;
	v50 =	vmul.u32 $0x131, v5;
	v5 =	vadd.s32 s24, v49;
	[tilespmem:s23+$0xFFFFFCA0] =	vst v52  }
0x15b: {  	v10 =	vadd.s32 s25, v49;
	[tilespmem:s23+$0xFFFFFD20] =	vst v53;
	v8 =	vld.idx.msk [tilespmem:v8+s9+$0x0], $0xffff  }
0x15c: {  	[tilespmem:s23+$0xFFFFFDA0] =	vst v63;
	v63 =	vadd.s32 s26, v49;
	v52 =	vld.idx.msk [tilespmem:v60+s9+$0x0], $0xffff  }
0x15d: {  	[tilespmem:s23+$0xFFFFFE20] =	vst v57;
	v62 =	vadd.s32 s22, v50;
	v58 =	vld.idx.msk [tilespmem:v61+s9+$0x0], $0xffff  }
0x15e: {  	[tilespmem:s23+$0xFFFFFC20] =	vst v9;
	v60 =	vadd.s32 s21, v49;
	v2 =	vld.idx.msk [tilespmem:v2+s9+$0x0], $0xffff  }
0x15f: {  	v61 =	vadd.s32 s28, v50;
	[tilespmem:s23+$0xFFFFFEA0] =	vst v4;
	v5 =	vld.idx.msk [tilespmem:v5+s9+$0x0], $0xffff  }
0x160: {  	v51 =	vmul.u32 $0x131, v6;
	v6 =	vadd.s32 s31, v50;
	[tilespmem:s23+$0xFFFFFF20] =	vst v59;
	v10 =	vld.idx.msk [tilespmem:v10+s9+$0x0], $0xffff  }
0x161: {  	v4 =	vadd.s32 s29, v50;
	v53 =	vld.idx.msk [tilespmem:v63+s9+$0x0], $0xffff;
	[tilespmem:s23+$0xFFFFFFB0] =	vst v8  }
0x162: {  	v9 =	vadd.s32 s24, v50;
	[tilespmem:s23+$0xFFFFFCB0] =	vst v52;
	v8 =	vld.idx.msk [tilespmem:v62+s9+$0x0], $0xffff  }
0x163: {  	v62 =	vld.idx.msk [tilespmem:v60+s9+$0x0], $0xffff;
	[tilespmem:s23+$0xFFFFFD30] =	vst v2;
	v2 =	vadd.s32 s25, v50  }
0x164: {  	[tilespmem:s23+$0xFFFFFDB0] =	vst v58;
	v57 =	vld.idx.msk [tilespmem:v61+s9+$0x0], $0xffff;
	v60 =	vadd.s32 s26, v50  }
0x165: {  	v63 =	vadd.s32 s22, v51;
	v6 =	vld.idx.msk [tilespmem:v6+s9+$0x0], $0xffff;
	[tilespmem:s23+$0xFFFFFE30] =	vst v5  }
0x166: {  	v61 =	vadd.s32 s21, v50;
	v4 =	vld.idx.msk [tilespmem:v4+s9+$0x0], $0xffff;
	[tilespmem:s23+$0xFFFFFEB0] =	vst v10  }
0x167: {  	v5 =	vadd.s32 s28, v51;
	v9 =	vld.idx.msk [tilespmem:v9+s9+$0x0], $0xffff;
	[tilespmem:s23+$0xFFFFFF30] =	vst v53  }
0x168: {  	v52 =	vmul.u32 $0x131, v7;
	v7 =	vadd.s32 s29, v51;
	[tilespmem:s23+$0xFFFFFFC0] =	vst v8;
	v2 =	vld.idx.msk [tilespmem:v2+s9+$0x0], $0xffff  }
0x169: {  	v10 =	vadd.s32 s31, v51;
	[tilespmem:s23+$0xFFFFFC30] =	vst v62;
	v55 =	vld.idx.msk [tilespmem:v60+s9+$0x0], $0xffff  }
0x16a: {  	[tilespmem:s23+$0xFFFFFCC0] =	vst v57;
	v60 =	vadd.s32 s24, v51;
	v8 =	vld.idx.msk [tilespmem:v63+s9+$0x0], $0xffff  }
0x16b: {  	v63 =	vld.idx.msk [tilespmem:v61+s9+$0x0], $0xffff;
	[tilespmem:s23+$0xFFFFFD40] =	vst v4;
	v4 =	vadd.s32 s25, v51  }
0x16c: {  	v62 =	vadd.s32 s22, v52;
	[tilespmem:s23+$0xFFFFFDC0] =	vst v6;
	v5 =	vld.idx.msk [tilespmem:v5+s9+$0x0], $0xffff  }
0x16d: {  	v6 =	vadd.s32 s26, v51;
	v7 =	vld.idx.msk [tilespmem:v7+s9+$0x0], $0xffff;
	[tilespmem:s23+$0xFFFFFE40] =	vst v9  }
0x16e: {  	v61 =	vadd.s32 s21, v51;
	v10 =	vld.idx.msk [tilespmem:v10+s9+$0x0], $0xffff;
	[tilespmem:s23+$0xFFFFFEC0] =	vst v2  }
0x16f: {  	v53 =	vmul.u32 $0x131, v3;
	v3 =	vadd.s32 s28, v52;
	v56 =	vld.idx.msk [tilespmem:v60+s9+$0x0], $0xffff;
	[tilespmem:s23+$0xFFFFFFD0] =	vst v8  }
0x170: {  	v2 =	vld.idx.msk [tilespmem:v4+s9+$0x0], $0xffff;
	[tilespmem:s23+$0xFFFFFC40] =	vst v63;
	v63 =	vadd.s32 s31, v52  }
0x171: {  	[tilespmem:s23+$0xFFFFFF40] =	vst v55;
	v8 =	vld.idx.msk [tilespmem:v62+s9+$0x0], $0xffff;
	v62 =	vadd.s32 s29, v52  }
0x172: {  	v6 =	vld.idx.msk [tilespmem:v6+s9+$0x0], $0xffff;
	[tilespmem:s23+$0xFFFFFCD0] =	vst v5;
	v5 =	vadd.s32 s24, v52  }
0x173: {  	v4 =	vadd.s32 s22, v53;
	v57 =	vld.idx.msk [tilespmem:v61+s9+$0x0], $0xffff;
	[tilespmem:s23+$0xFFFFFD50] =	vst v7  }
0x174: {  	v7 =	vadd.s32 s25, v52;
	v3 =	vld.idx.msk [tilespmem:v3+s9+$0x0], $0xffff;
	[tilespmem:s23+$0xFFFFFDD0] =	vst v10  }
0x175: {  	v60 =	vadd.s32 s26, v52;
	[tilespmem:s23+$0xFFFFFE50] =	vst v56;
	v55 =	vld.idx.msk [tilespmem:v63+s9+$0x0], $0xffff  }
0x176: {  	v54 =	vmul.u32 $0x131, v54;
	v61 =	vadd.s32 s21, v52;
	[tilespmem:s23+$0xFFFFFED0] =	vst v2;
	v9 =	vld.idx.msk [tilespmem:v62+s9+$0x0], $0xffff  }
0x177: {  	[tilespmem:s23+$0xFFFFFFE0] =	vst v8;
	v62 =	vadd.s32 s28, v53;
	v5 =	vld.idx.msk [tilespmem:v5+s9+$0x0], $0xffff  }
0x178: {  	v2 =	vadd.s32 s22, v54;
	[tilespmem:s23+$0xFFFFFF50] =	vst v6;
	v6 =	vadd.s32 s31, v53;
	s22 =	simm.s32 $0x8;
	v4 =	vld.idx.msk [tilespmem:v4+s9+$0x0], $0xffff  }
0x179: {  	v7 =	vld.idx.msk [tilespmem:v7+s9+$0x0], $0xffff;
	v11 =	vadd.s32 s22, v47  }
0x17a: {  	[tilespmem:s23+$0xFFFFFC50] =	vst v57;
	v57 =	vld.idx.msk [tilespmem:v60+s9+$0x0], $0xffff  }
0x17b: {  	v63 =	vadd.s32 s29, v53;
	v8 =	vld.idx.msk [tilespmem:v61+s9+$0x0], $0xffff;
	[tilespmem:s23+$0xFFFFFCE0] =	vst v3  }
0x17c: {  	v3 =	vadd.s32 s24, v53;
	[tilespmem:s23+$0xFFFFFDE0] =	vst v55;
	v10 =	vld.idx.msk [tilespmem:v62+s9+$0x0], $0xffff  }
0x17d: {  	v6 =	vld.idx.msk [tilespmem:v6+s9+$0x0], $0xffff;
	[tilespmem:s23+$0xFFFFFFF0] =	vst v4;
	v4 =	vadd.s32 s26, v53  }
0x17e: {  	v58 =	vadd.s32 s25, v53;
	[tilespmem:s23+$0xFFFFFD60] =	vst v9;
	v55 =	vld.idx.msk [tilespmem:v11+s9+$0x0], $0xffff  }
0x17f: {  	v9 =	vadd.s32 s21, v53;
	[tilespmem:s23+$0xFFFFFE60] =	vst v5;
	v2 =	vld.idx.msk [tilespmem:v2+s9+$0x0], $0xffff  }
0x180: {  	v5 =	vadd.s32 s28, v54;
	[tilespmem:s23+$0xFFFFFEE0] =	vst v7;
	v61 =	vld.idx.msk [tilespmem:v63+s9+$0x0], $0xffff  }
0x181: {  	v7 =	vadd.s32 s29, v54;
	[tilespmem:s23+$0xFFFFFF60] =	vst v57;
	v60 =	vld.idx.msk [tilespmem:v3+s9+$0x0], $0xffff  }
0x182: {  	[tilespmem:s23+$0xFFFFFC60] =	vst v8;
	v57 =	vld.idx.msk [tilespmem:v4+s9+$0x0], $0xffff;
	v4 =	vadd.s32 s31, v54  }
0x183: {  	v59 =	vld.idx.msk [tilespmem:v58+s9+$0x0], $0xffff;
	v3 =	vadd.s32 s24, v54;
	[tilespmem:s23+$0xFFFFFCF0] =	vst v10  }
0x184: {  	v56 =	vld.idx.msk [tilespmem:v9+s9+$0x0], $0xffff;
	[tilespmem:s23+$0x0] =	vst v2;
	v2 =	vadd.s32 s25, v54  }
0x185: {  	v63 =	vadd.s32 s26, v54;
	v58 =	vld.idx.msk [tilespmem:v5+s9+$0x0], $0xffff;
	[tilespmem:s23+$0xFFFFFD70] =	vst v61  }
0x186: {  	v62 =	vadd.s32 s21, v54;
	s24 =	simm.s32 $0xF;
	[tilespmem:s23+$0xFFFFFDF0] =	vst v6;
	s25 =	simm.s32 $0x10;
	v61 =	vld.idx.msk [tilespmem:v7+s9+$0x0], $0xffff  }
.LBB2_7:
0x187: {  	p0 =	slt.u32 s25, $0x120;
	s26 =	sadd.s32 $0x1, s22;
	v5 =	vadd.s32 s24, v47;
	v4 =	vld.idx.msk [tilespmem:v4+s9+$0x0], $0xffff;
	[tilespmem:s23+$0xFFFFFE70] =	vst v60  }
0x188: {  	s28 =	sadd.s32 $0x2, s22;
	v6 =	vadd.s32 s26, v47;
	v3 =	vld.idx.msk [tilespmem:v3+s9+$0x0], $0xffff;
	[tilespmem:s23+$0xFFFFFEF0] =	vst v59  }
0x189: {  	s29 =	sadd.s32 $0x3, s22;
	v7 =	vadd.s32 s28, v47;
	v2 =	vld.idx.msk [tilespmem:v2+s9+$0x0], $0xffff;
	[tilespmem:s23+$0xFFFFFF70] =	vst v57  }
0x18a: {  	s30 =	sadd.s32 $0x4, s22;
	v8 =	vadd.s32 s29, v47;
	[tilespmem:s23+$0xFFFFFC70] =	vst v56;
	v9 =	vld.idx.msk [tilespmem:v63+s9+$0x0], $0xffff  }
0x18b: {  	s31 =	sadd.s32 $0x5, s22;
	v10 =	vadd.s32 s30, v47;
	v56 =	vld.idx.msk [tilespmem:v62+s9+$0x0], $0xffff;
	[tilespmem:s23+$0xFFFFFD00] =	vst v58  }
0x18c: {  	s1 =	sadd.s32 $0x6, s22;
	v57 =	vadd.s32 s31, v47;
	v5 =	vld.idx.msk [tilespmem:v5+s9+$0x0], $0xffff;
	[tilespmem:s23+$0xFFFFFD80] =	vst v61  }
0x18d: {  	v58 =	vadd.s32 s1, v47;
	v6 =	vld.idx.msk [tilespmem:v6+s9+$0x0], $0xffff;
	[tilespmem:s23+$0xFFFFFE00] =	vst v4  }
0x18e: {  	v4 =	vld.idx.msk [tilespmem:v7+s9+$0x0], $0xffff;
	v7 =	vadd.s32 s24, v48;
	[tilespmem:s23+$0xFFFFFE80] =	vst v3  }
0x18f: {  	v3 =	vadd.s32 s26, v48;
	v8 =	vld.idx.msk [tilespmem:v8+s9+$0x0], $0xffff;
	[tilespmem:s23+$0xFFFFFF00] =	vst v2  }
0x190: {  	v2 =	vadd.s32 s28, v48;
	v10 =	vld.idx.msk [tilespmem:v10+s9+$0x0], $0xffff;
	[tilespmem:s23+$0xFFFFFF80] =	vst v9  }
0x191: {  	v9 =	vadd.s32 s29, v48;
	v57 =	vld.idx.msk [tilespmem:v57+s9+$0x0], $0xffff;
	[tilespmem:s23+$0xFFFFFC80] =	vst v56;
	s23 =	sadd.s32 $0x400, s23  }
0x192: {  	v56 =	vadd.s32 s30, v48;
	v58 =	vld.idx.msk [tilespmem:v58+s9+$0x0], $0xffff;
	[tilespmem:s23+$0xFFFFFF90] =	vst v5  }
0x193: {  	v5 =	vadd.s32 s31, v48;
	[tilespmem:s23+$0xFFFFFC90] =	vst v6;
	v6 =	vld.idx.msk [tilespmem:v7+s9+$0x0], $0xffff  }
0x194: {  	v3 =	vld.idx.msk [tilespmem:v3+s9+$0x0], $0xffff;
	[tilespmem:s23+$0xFFFFFD10] =	vst v4;
	v4 =	vadd.s32 s1, v48  }
0x195: {  	v7 =	vadd.s32 s24, v49;
	v2 =	vld.idx.msk [tilespmem:v2+s9+$0x0], $0xffff;
	[tilespmem:s23+$0xFFFFFD90] =	vst v8  }
0x196: {  	v8 =	vadd.s32 s22, v48;
	v9 =	vld.idx.msk [tilespmem:v9+s9+$0x0], $0xffff;
	[tilespmem:s23+$0xFFFFFE10] =	vst v10  }
0x197: {  	v10 =	vadd.s32 s26, v49;
	v56 =	vld.idx.msk [tilespmem:v56+s9+$0x0], $0xffff;
	[tilespmem:s23+$0xFFFFFE90] =	vst v57  }
0x198: {  	v57 =	vadd.s32 s28, v49;
	v5 =	vld.idx.msk [tilespmem:v5+s9+$0x0], $0xffff;
	[tilespmem:s23+$0xFFFFFF10] =	vst v58  }
0x199: {  	v58 =	vadd.s32 s29, v49;
	v4 =	vld.idx.msk [tilespmem:v4+s9+$0x0], $0xffff;
	[tilespmem:s23+$0xFFFFFFA0] =	vst v6  }
0x19a: {  	v6 =	vadd.s32 s30, v49;
	[tilespmem:s23+$0xFFFFFC10] =	vst v55;
	v7 =	vld.idx.msk [tilespmem:v7+s9+$0x0], $0xffff  }
0x19b: {  	v8 =	vld.idx.msk [tilespmem:v8+s9+$0x0], $0xffff;
	[tilespmem:s23+$0xFFFFFCA0] =	vst v3;
	v3 =	vadd.s32 s31, v49  }
0x19c: {  	v10 =	vld.idx.msk [tilespmem:v10+s9+$0x0], $0xffff;
	[tilespmem:s23+$0xFFFFFD20] =	vst v2;
	v2 =	vadd.s32 s24, v50  }
0x19d: {  	v55 =	vld.idx.msk [tilespmem:v57+s9+$0x0], $0xffff;
	[tilespmem:s23+$0xFFFFFDA0] =	vst v9;
	v9 =	vadd.s32 s1, v49  }
0x19e: {  	v57 =	vadd.s32 s22, v49;
	v58 =	vld.idx.msk [tilespmem:v58+s9+$0x0], $0xffff;
	[tilespmem:s23+$0xFFFFFE20] =	vst v56  }
0x19f: {  	v56 =	vadd.s32 s26, v50;
	v6 =	vld.idx.msk [tilespmem:v6+s9+$0x0], $0xffff;
	[tilespmem:s23+$0xFFFFFEA0] =	vst v5  }
0x1a0: {  	v5 =	vadd.s32 s28, v50;
	v3 =	vld.idx.msk [tilespmem:v3+s9+$0x0], $0xffff;
	[tilespmem:s23+$0xFFFFFFB0] =	vst v7  }
0x1a1: {  	v7 =	vadd.s32 s29, v50;
	[tilespmem:s23+$0xFFFFFF20] =	vst v4;
	v2 =	vld.idx.msk [tilespmem:v2+s9+$0x0], $0xffff  }
0x1a2: {  	v4 =	vadd.s32 s30, v50;
	[tilespmem:s23+$0xFFFFFC20] =	vst v8;
	v8 =	vld.idx.msk [tilespmem:v9+s9+$0x0], $0xffff  }
0x1a3: {  	v9 =	vld.idx.msk [tilespmem:v57+s9+$0x0], $0xffff;
	[tilespmem:s23+$0xFFFFFCB0] =	vst v10;
	v10 =	vadd.s32 s24, v51  }
0x1a4: {  	v56 =	vld.idx.msk [tilespmem:v56+s9+$0x0], $0xffff;
	[tilespmem:s23+$0xFFFFFD30] =	vst v55;
	v55 =	vadd.s32 s31, v50  }
0x1a5: {  	v57 =	vadd.s32 s1, v50;
	v5 =	vld.idx.msk [tilespmem:v5+s9+$0x0], $0xffff;
	[tilespmem:s23+$0xFFFFFDB0] =	vst v58  }
0x1a6: {  	v58 =	vadd.s32 s22, v50;
	v7 =	vld.idx.msk [tilespmem:v7+s9+$0x0], $0xffff;
	[tilespmem:s23+$0xFFFFFE30] =	vst v6  }
0x1a7: {  	v6 =	vadd.s32 s26, v51;
	v4 =	vld.idx.msk [tilespmem:v4+s9+$0x0], $0xffff;
	[tilespmem:s23+$0xFFFFFFC0] =	vst v2  }
0x1a8: {  	v2 =	vadd.s32 s28, v51;
	[tilespmem:s23+$0xFFFFFEB0] =	vst v3;
	v3 =	vld.idx.msk [tilespmem:v10+s9+$0x0], $0xffff  }
0x1a9: {  	v10 =	vadd.s32 s29, v51;
	v55 =	vld.idx.msk [tilespmem:v55+s9+$0x0], $0xffff;
	[tilespmem:s23+$0xFFFFFF30] =	vst v8  }
0x1aa: {  	[tilespmem:s23+$0xFFFFFC30] =	vst v9;
	v8 =	vld.idx.msk [tilespmem:v57+s9+$0x0], $0xffff;
	v9 =	vadd.s32 s24, v52  }
0x1ab: {  	v57 =	vld.idx.msk [tilespmem:v58+s9+$0x0], $0xffff;
	[tilespmem:s23+$0xFFFFFCC0] =	vst v56;
	v56 =	vadd.s32 s30, v51  }
0x1ac: {  	v6 =	vld.idx.msk [tilespmem:v6+s9+$0x0], $0xffff;
	[tilespmem:s23+$0xFFFFFD40] =	vst v5;
	v5 =	vadd.s32 s31, v51  }
0x1ad: {  	v2 =	vld.idx.msk [tilespmem:v2+s9+$0x0], $0xffff;
	[tilespmem:s23+$0xFFFFFDC0] =	vst v7;
	v7 =	vadd.s32 s1, v51  }
0x1ae: {  	v58 =	vadd.s32 s22, v51;
	v10 =	vld.idx.msk [tilespmem:v10+s9+$0x0], $0xffff;
	[tilespmem:s23+$0xFFFFFFD0] =	vst v3  }
0x1af: {  	v3 =	vadd.s32 s26, v52;
	[tilespmem:s23+$0xFFFFFE40] =	vst v4;
	v4 =	vld.idx.msk [tilespmem:v9+s9+$0x0], $0xffff  }
0x1b0: {  	v9 =	vadd.s32 s28, v52;
	v56 =	vld.idx.msk [tilespmem:v56+s9+$0x0], $0xffff;
	[tilespmem:s23+$0xFFFFFEC0] =	vst v55  }
0x1b1: {  	v5 =	vld.idx.msk [tilespmem:v5+s9+$0x0], $0xffff;
	[tilespmem:s23+$0xFFFFFF40] =	vst v8;
	v8 =	vadd.s32 s24, v53  }
0x1b2: {  	v55 =	vadd.s32 s29, v52;
	[tilespmem:s23+$0xFFFFFC40] =	vst v57;
	v7 =	vld.idx.msk [tilespmem:v7+s9+$0x0], $0xffff  }
0x1b3: {  	v57 =	vld.idx.msk [tilespmem:v58+s9+$0x0], $0xffff;
	[tilespmem:s23+$0xFFFFFCD0] =	vst v6;
	v6 =	vadd.s32 s30, v52  }
0x1b4: {  	v3 =	vld.idx.msk [tilespmem:v3+s9+$0x0], $0xffff;
	[tilespmem:s23+$0xFFFFFD50] =	vst v2;
	v2 =	vadd.s32 s31, v52  }
0x1b5: {  	v58 =	vadd.s32 s1, v52;
	v9 =	vld.idx.msk [tilespmem:v9+s9+$0x0], $0xffff;
	[tilespmem:s23+$0xFFFFFFE0] =	vst v4  }
0x1b6: {  	v4 =	vadd.s32 s22, v52;
	[tilespmem:s23+$0xFFFFFDD0] =	vst v10;
	v8 =	vld.idx.msk [tilespmem:v8+s9+$0x0], $0xffff  }
0x1b7: {  	v10 =	vadd.s32 s26, v53;
	v55 =	vld.idx.msk [tilespmem:v55+s9+$0x0], $0xffff;
	[tilespmem:s23+$0xFFFFFE50] =	vst v56  }
0x1b8: {  	v6 =	vld.idx.msk [tilespmem:v6+s9+$0x0], $0xffff;
	[tilespmem:s23+$0xFFFFFED0] =	vst v5;
	v5 =	vadd.s32 s24, v54  }
0x1b9: {  	v56 =	vadd.s32 s28, v53;
	v2 =	vld.idx.msk [tilespmem:v2+s9+$0x0], $0xffff;
	[tilespmem:s23+$0xFFFFFF50] =	vst v7  }
0x1ba: {  	v7 =	vadd.s32 s29, v53;
	[tilespmem:s23+$0xFFFFFC50] =	vst v57;
	v57 =	vld.idx.msk [tilespmem:v58+s9+$0x0], $0xffff  }
0x1bb: {  	v4 =	vld.idx.msk [tilespmem:v4+s9+$0x0], $0xffff;
	[tilespmem:s23+$0xFFFFFCE0] =	vst v3;
	v3 =	vadd.s32 s30, v53  }
0x1bc: {  	v58 =	vadd.s32 s31, v53;
	v10 =	vld.idx.msk [tilespmem:v10+s9+$0x0], $0xffff;
	[tilespmem:s23+$0xFFFFFFF0] =	vst v8  }
0x1bd: {  	v8 =	vadd.s32 s1, v53;
	[tilespmem:s23+$0xFFFFFD60] =	vst v9;
	v5 =	vld.idx.msk [tilespmem:v5+s9+$0x0], $0xffff  }
0x1be: {  	v9 =	vadd.s32 s22, v53;
	v61 =	vld.idx.msk [tilespmem:v56+s9+$0x0], $0xffff;
	[tilespmem:s23+$0xFFFFFDE0] =	vst v55  }
0x1bf: {  	v55 =	vadd.s32 s25, v47;
	v7 =	vld.idx.msk [tilespmem:v7+s9+$0x0], $0xffff;
	[tilespmem:s23+$0xFFFFFE60] =	vst v6  }
0x1c0: {  	v6 =	vadd.s32 s26, v54;
	v60 =	vld.idx.msk [tilespmem:v3+s9+$0x0], $0xffff;
	[tilespmem:s23+$0xFFFFFEE0] =	vst v2  }
0x1c1: {  	v11 =	vadd.s32 s28, v54;
	v59 =	vld.idx.msk [tilespmem:v58+s9+$0x0], $0xffff;
	[tilespmem:s23+$0xFFFFFF60] =	vst v57  }
.Ltmp2:
0x1c2: {  	[tilespmem:s23+$0xFFFFFC60] =	vst v4;
	v4 =	vadd.s32 s29, v54;
	v57 =	vld.idx.msk [tilespmem:v8+s9+$0x0], $0xffff;
	(pc) =	sbr.rel @p0 .LBB2_7-.Ltmp2, $4  }
0x1c3: {  	v3 =	vadd.s32 s30, v54;
	v56 =	vld.idx.msk [tilespmem:v9+s9+$0x0], $0xffff;
	[tilespmem:s23+$0x0] =	vst v5  }
0x1c4: {  	v2 =	vadd.s32 s31, v54;
	v55 =	vld.idx.msk [tilespmem:v55+s9+$0x0], $0xffff;
	[tilespmem:s23+$0xFFFFFCF0] =	vst v10  }
0x1c5: {  	v63 =	vadd.s32 s1, v54;
	v58 =	vld.idx.msk [tilespmem:v6+s9+$0x0], $0xffff;
	[tilespmem:s23+$0xFFFFFD70] =	vst v61  }
0x1c6: {  	v62 =	vadd.s32 s22, v54;
	s24 =	sadd.s32 $0x7, s25;
	s22 =	smov.u32 s25;
	s25 =	sadd.s32 $0x8, s25;
	v61 =	vld.idx.msk [tilespmem:v11+s9+$0x0], $0xffff;
	[tilespmem:s23+$0xFFFFFDF0] =	vst v7  }
0x1c7: {  	_ =	sdelay $0x2  }
0x1c8: {  	[tilespmem:s23+$0xFFFFFE70] =	vst v60  }
0x1c9: {  	s1 =	sadd.s32 $0x1, s22;
	v5 =	vadd.s32 s24, v47;
	v4 =	vld.idx.msk [tilespmem:v4+s9+$0x0], $0xffff;
	[tilespmem:s23+$0xFFFFFEF0] =	vst v59  }
0x1ca: {  	s25 =	sadd.s32 $0x2, s22;
	[tilespmem:s23+$0xFFFFFF70] =	vst v57;
	v6 =	vadd.s32 s1, v47;
	v3 =	vld.idx.msk [tilespmem:v3+s9+$0x0], $0xffff  }
0x1cb: {  	s26 =	sadd.s32 $0x3, s22;
	s31 =	sadd.s32 $0x400, s23;
	v7 =	vadd.s32 s25, v47;
	v2 =	vld.idx.msk [tilespmem:v2+s9+$0x0], $0xffff;
	[tilespmem:s23+$0xFFFFFC70] =	vst v56  }
0x1cc: {  	s28 =	sadd.s32 $0x4, s22;
	v8 =	vadd.s32 s26, v47;
	v9 =	vld.idx.msk [tilespmem:v63+s9+$0x0], $0xffff;
	[tilespmem:s31+$0xFFFFFC10] =	vst v55  }
0x1cd: {  	s29 =	sadd.s32 $0x5, s22;
	v10 =	vadd.s32 s28, v47;
	v11 =	vld.idx.msk [tilespmem:v62+s9+$0x0], $0xffff;
	[tilespmem:s23+$0xFFFFFD00] =	vst v58  }
0x1ce: {  	s30 =	sadd.s32 $0x6, s22;
	v56 =	vadd.s32 s29, v47;
	[tilespmem:s23+$0xFFFFFD80] =	vst v61;
	v5 =	vld.idx.msk [tilespmem:v5+s9+$0x0], $0xffff  }
0x1cf: {  	v60 =	vadd.s32 s30, v47;
	[tilespmem:s23+$0xFFFFFE00] =	vst v4;
	v4 =	vld.idx.msk [tilespmem:v6+s9+$0x0], $0xffff  }
0x1d0: {  	v61 =	vadd.s32 s24, v48;
	[tilespmem:s23+$0xFFFFFE80] =	vst v3;
	v3 =	vld.idx.msk [tilespmem:v7+s9+$0x0], $0xffff  }
0x1d1: {  	v62 =	vadd.s32 s1, v48;
	[tilespmem:s23+$0xFFFFFF00] =	vst v2;
	v2 =	vld.idx.msk [tilespmem:v8+s9+$0x0], $0xffff  }
0x1d2: {  	v57 =	vadd.s32 s25, v48;
	[tilespmem:s23+$0xFFFFFF80] =	vst v9;
	v63 =	vld.idx.msk [tilespmem:v10+s9+$0x0], $0xffff  }
0x1d3: {  	v59 =	vadd.s32 s26, v48;
	v58 =	vld.idx.msk [tilespmem:v56+s9+$0x0], $0xffff;
	[tilespmem:s31+$0xFFFFFF90] =	vst v5  }
0x1d4: {  	v6 =	vld.idx.msk [tilespmem:v60+s9+$0x0], $0xffff;
	v60 =	vadd.s32 s28, v48;
	[tilespmem:s31+$0xFFFFFC90] =	vst v4  }
0x1d5: {  	v7 =	vld.idx.msk [tilespmem:v61+s9+$0x0], $0xffff;
	[tilespmem:s31+$0xFFFFFD10] =	vst v3;
	v3 =	vadd.s32 s29, v48  }
0x1d6: {  	[tilespmem:s31+$0xFFFFFD90] =	vst v2;
	v61 =	vadd.s32 s24, v49;
	v2 =	vld.idx.msk [tilespmem:v62+s9+$0x0], $0xffff  }
0x1d7: {  	[tilespmem:s23+$0xFFFFFC80] =	vst v11;
	v62 =	vadd.s32 s30, v48;
	v10 =	vld.idx.msk [tilespmem:v57+s9+$0x0], $0xffff  }
0x1d8: {  	[tilespmem:s31+$0xFFFFFE10] =	vst v63;
	v63 =	vadd.s32 s22, v48;
	v5 =	vld.idx.msk [tilespmem:v59+s9+$0x0], $0xffff  }
0x1d9: {  	[tilespmem:s31+$0xFFFFFE90] =	vst v58;
	v57 =	vadd.s32 s1, v49;
	v4 =	vld.idx.msk [tilespmem:v60+s9+$0x0], $0xffff  }
0x1da: {  	v58 =	vadd.s32 s25, v49;
	[tilespmem:s31+$0xFFFFFFA0] =	vst v7;
	v3 =	vld.idx.msk [tilespmem:v3+s9+$0x0], $0xffff  }
0x1db: {  	[tilespmem:s31+$0xFFFFFF10] =	vst v6;
	v59 =	vadd.s32 s26, v49;
	v8 =	vld.idx.msk [tilespmem:v61+s9+$0x0], $0xffff  }
0x1dc: {  	v60 =	vadd.s32 s28, v49;
	[tilespmem:s31+$0xFFFFFCA0] =	vst v2;
	v2 =	vld.idx.msk [tilespmem:v62+s9+$0x0], $0xffff  }
0x1dd: {  	[tilespmem:s31+$0xFFFFFD20] =	vst v10;
	v61 =	vld.idx.msk [tilespmem:v63+s9+$0x0], $0xffff;
	v63 =	vadd.s32 s29, v49  }
0x1de: {  	v62 =	vadd.s32 s24, v50;
	[tilespmem:s31+$0xFFFFFDA0] =	vst v5;
	v6 =	vld.idx.msk [tilespmem:v57+s9+$0x0], $0xffff  }
0x1df: {  	[tilespmem:s31+$0xFFFFFE20] =	vst v4;
	v57 =	vld.idx.msk [tilespmem:v58+s9+$0x0], $0xffff;
	v58 =	vadd.s32 s30, v49  }
0x1e0: {  	v55 =	vld.idx.msk [tilespmem:v59+s9+$0x0], $0xffff;
	v59 =	vadd.s32 s1, v50;
	[tilespmem:s31+$0xFFFFFEA0] =	vst v3  }
0x1e1: {  	v9 =	vld.idx.msk [tilespmem:v60+s9+$0x0], $0xffff;
	v60 =	vadd.s32 s26, v50;
	[tilespmem:s31+$0xFFFFFFB0] =	vst v8  }
0x1e2: {  	v3 =	vadd.s32 s22, v49;
	[tilespmem:s31+$0xFFFFFF20] =	vst v2;
	v5 =	vld.idx.msk [tilespmem:v63+s9+$0x0], $0xffff  }
0x1e3: {  	v2 =	vadd.s32 s25, v50;
	[tilespmem:s31+$0xFFFFFC20] =	vst v61;
	v11 =	vld.idx.msk [tilespmem:v62+s9+$0x0], $0xffff  }
0x1e4: {  	v63 =	vadd.s32 s28, v50;
	[tilespmem:s31+$0xFFFFFCB0] =	vst v6;
	v61 =	vld.idx.msk [tilespmem:v58+s9+$0x0], $0xffff  }
0x1e5: {  	v62 =	vadd.s32 s24, v51;
	[tilespmem:s31+$0xFFFFFDB0] =	vst v55;
	v8 =	vld.idx.msk [tilespmem:v59+s9+$0x0], $0xffff  }
0x1e6: {  	[tilespmem:s31+$0xFFFFFD30] =	vst v57;
	v58 =	vadd.s32 s30, v50;
	v10 =	vld.idx.msk [tilespmem:v60+s9+$0x0], $0xffff  }
0x1e7: {  	v57 =	vadd.s32 s29, v50;
	[tilespmem:s31+$0xFFFFFE30] =	vst v9;
	v3 =	vld.idx.msk [tilespmem:v3+s9+$0x0], $0xffff  }
0x1e8: {  	v60 =	vadd.s32 s1, v51;
	v2 =	vld.idx.msk [tilespmem:v2+s9+$0x0], $0xffff;
	[tilespmem:s31+$0xFFFFFEB0] =	vst v5  }
0x1e9: {  	v59 =	vadd.s32 s22, v50;
	v4 =	vld.idx.msk [tilespmem:v63+s9+$0x0], $0xffff;
	[tilespmem:s31+$0xFFFFFFC0] =	vst v11  }
0x1ea: {  	[tilespmem:s31+$0xFFFFFF30] =	vst v61;
	v61 =	vadd.s32 s25, v51;
	v7 =	vld.idx.msk [tilespmem:v62+s9+$0x0], $0xffff  }
0x1eb: {  	v62 =	vadd.s32 s24, v52;
	[tilespmem:s31+$0xFFFFFCC0] =	vst v8;
	v9 =	vld.idx.msk [tilespmem:v58+s9+$0x0], $0xffff  }
0x1ec: {  	v63 =	vadd.s32 s26, v51;
	[tilespmem:s31+$0xFFFFFC30] =	vst v3;
	v3 =	vld.idx.msk [tilespmem:v57+s9+$0x0], $0xffff  }
0x1ed: {  	[tilespmem:s31+$0xFFFFFDC0] =	vst v10;
	v5 =	vld.idx.msk [tilespmem:v60+s9+$0x0], $0xffff;
	v57 =	vadd.s32 s28, v51  }
0x1ee: {  	v58 =	vadd.s32 s29, v51;
	[tilespmem:s31+$0xFFFFFD40] =	vst v2;
	v2 =	vld.idx.msk [tilespmem:v59+s9+$0x0], $0xffff  }
0x1ef: {  	v59 =	vadd.s32 s30, v51;
	v6 =	vld.idx.msk [tilespmem:v61+s9+$0x0], $0xffff;
	[tilespmem:s31+$0xFFFFFFD0] =	vst v7  }
0x1f0: {  	v60 =	vadd.s32 s22, v51;
	[tilespmem:s31+$0xFFFFFE40] =	vst v4;
	v55 =	vld.idx.msk [tilespmem:v62+s9+$0x0], $0xffff  }
0x1f1: {  	v61 =	vadd.s32 s1, v52;
	[tilespmem:s31+$0xFFFFFEC0] =	vst v3;
	v3 =	vld.idx.msk [tilespmem:v63+s9+$0x0], $0xffff  }
0x1f2: {  	[tilespmem:s31+$0xFFFFFF40] =	vst v9;
	v62 =	vld.idx.msk [tilespmem:v57+s9+$0x0], $0xffff;
	v63 =	vadd.s32 s24, v53  }
0x1f3: {  	[tilespmem:s31+$0xFFFFFC40] =	vst v2;
	v2 =	vadd.s32 s25, v52;
	v10 =	vld.idx.msk [tilespmem:v58+s9+$0x0], $0xffff  }
0x1f4: {  	[tilespmem:s31+$0xFFFFFCD0] =	vst v5;
	v57 =	vadd.s32 s26, v52;
	v7 =	vld.idx.msk [tilespmem:v59+s9+$0x0], $0xffff  }
0x1f5: {  	v58 =	vadd.s32 s28, v52;
	[tilespmem:s31+$0xFFFFFD50] =	vst v6;
	v4 =	vld.idx.msk [tilespmem:v60+s9+$0x0], $0xffff  }
0x1f6: {  	v59 =	vadd.s32 s29, v52;
	v8 =	vld.idx.msk [tilespmem:v61+s9+$0x0], $0xffff;
	[tilespmem:s31+$0xFFFFFFE0] =	vst v55  }
0x1f7: {  	v60 =	vadd.s32 s22, v52;
	[tilespmem:s31+$0xFFFFFDD0] =	vst v3;
	v11 =	vld.idx.msk [tilespmem:v63+s9+$0x0], $0xffff  }
0x1f8: {  	v3 =	vadd.s32 s30, v52;
	[tilespmem:s31+$0xFFFFFE50] =	vst v62;
	v2 =	vld.idx.msk [tilespmem:v2+s9+$0x0], $0xffff  }
0x1f9: {  	v62 =	vadd.s32 s1, v53;
	[tilespmem:s31+$0xFFFFFED0] =	vst v10;
	v5 =	vld.idx.msk [tilespmem:v57+s9+$0x0], $0xffff  }
0x1fa: {  	v61 =	vadd.s32 s24, v54;
	[tilespmem:s31+$0xFFFFFF50] =	vst v7;
	v6 =	vld.idx.msk [tilespmem:v58+s9+$0x0], $0xffff  }
0x1fb: {  	v63 =	vadd.s32 s25, v53;
	[tilespmem:s31+$0xFFFFFC50] =	vst v4;
	v55 =	vld.idx.msk [tilespmem:v59+s9+$0x0], $0xffff  }
0x1fc: {  	v56 =	vadd.s32 s26, v53;
	[tilespmem:s31+$0xFFFFFCE0] =	vst v8;
	v9 =	vld.idx.msk [tilespmem:v60+s9+$0x0], $0xffff  }
0x1fd: {  	v57 =	vadd.s32 s28, v53;
	v3 =	vld.idx.msk [tilespmem:v3+s9+$0x0], $0xffff;
	[tilespmem:s31+$0xFFFFFFF0] =	vst v11  }
0x1fe: {  	v60 =	vadd.s32 s22, v53;
	v58 =	vld.idx.msk [tilespmem:v62+s9+$0x0], $0xffff;
	[tilespmem:s31+$0xFFFFFD60] =	vst v2  }
0x1ff: {  	v2 =	vadd.s32 s29, v53;
	v10 =	vld.idx.msk [tilespmem:v61+s9+$0x0], $0xffff;
	[tilespmem:s31+$0xFFFFFDE0] =	vst v5  }
0x200: {  	v59 =	vadd.s32 s30, v53;
	[tilespmem:s31+$0xFFFFFE60] =	vst v6;
	v4 =	vld.idx.msk [tilespmem:v63+s9+$0x0], $0xffff  }
0x201: {  	v61 =	vadd.s32 s1, v54;
	v8 =	vld.idx.msk [tilespmem:v56+s9+$0x0], $0xffff;
	[tilespmem:s31+$0xFFFFFC60] =	vst v9  }
0x202: {  	[tilespmem:s31+$0xFFFFFF60] =	vst v3;
	v3 =	vld.idx.msk [tilespmem:v57+s9+$0x0], $0xffff  }
0x203: {  	v11 =	vadd.s32 s25, v54;
	[tilespmem:s31+$0xFFFFFEE0] =	vst v55;
	v57 =	vld.idx.msk [tilespmem:v60+s9+$0x0], $0xffff  }
0x204: {  	v62 =	vadd.s32 s26, v54;
	[tilespmem:s31+$0xFFFFFCF0] =	vst v58;
	v2 =	vld.idx.msk [tilespmem:v2+s9+$0x0], $0xffff  }
0x205: {  	v63 =	vadd.s32 s28, v54;
	[tilespmem:s31+$0x0] =	vst v10;
	v7 =	vld.idx.msk [tilespmem:v59+s9+$0x0], $0xffff  }
0x206: {  	v59 =	vld.idx.msk [tilespmem:v61+s9+$0x0], $0xffff;
	v61 =	vadd.s32 s22, v54;
	[tilespmem:s31+$0xFFFFFD70] =	vst v4  }
0x207: {  	v58 =	vadd.s32 s29, v54;
	[tilespmem:s31+$0xFFFFFDF0] =	vst v8  }
0x208: {  	v60 =	vadd.s32 s30, v54;
	v11 =	vld.idx.msk [tilespmem:v11+s9+$0x0], $0xffff;
	[tilespmem:s31+$0xFFFFFE70] =	vst v3  }
0x209: {  	v3 =	vld.idx.msk [tilespmem:v62+s9+$0x0], $0xffff;
	[tilespmem:s31+$0xFFFFFC70] =	vst v57  }
0x20a: {  	[tilespmem:s31+$0xFFFFFEF0] =	vst v2;
	v2 =	vld.idx.msk [tilespmem:v63+s9+$0x0], $0xffff  }
0x20b: {  	[tilespmem:s31+$0xFFFFFF70] =	vst v7;
	v63 =	vld.idx.msk [tilespmem:v61+s9+$0x0], $0xffff  }
0x20c: {  	[tilespmem:s31+$0xFFFFFD00] =	vst v59;
	v6 =	vld.idx.msk [tilespmem:v58+s9+$0x0], $0xffff  }
0x20d: {  	v62 =	vld.idx.msk [tilespmem:v60+s9+$0x0], $0xffff;
	[tilespmem:s31+$0xFFFFFD80] =	vst v11  }
0x20e: {  	[tilespmem:s31+$0xFFFFFE00] =	vst v3  }
0x20f: {  	[tilespmem:s31+$0xFFFFFE80] =	vst v2  }
0x210: {  	[tilespmem:s31+$0xFFFFFC80] =	vst v63  }
0x211: {  	[tilespmem:s31+$0xFFFFFF00] =	vst v6  }
0x212: {  	s1 =	simm.s32 $0x128;
	[tilespmem:s31+$0xFFFFFF80] =	vst v62  }
.LBB2_9:
0x213: {  	v2 =	vadd.s32 s1, v47;
	_ =	sdelay $0x4  }
0x214: {  	v2 =	vld.idx.msk [tilespmem:v2+s9+$0x0], $0xffff  }
0x215: {  	v3 =	vadd.s32 s1, v48;
	_ =	sdelay $0x2  }
0x216: {  	s22 =	sshra.s32 s21, $0x2  }
0x217: {  	[tilespmem:s22+$0x15000] =	vst v2  }
0x218: {  	v2 =	vld.idx.msk [tilespmem:v3+s9+$0x0], $0xffff  }
0x219: {  	v3 =	vadd.s32 s1, v49;
	_ =	sdelay $0x3  }
0x21a: {  	[tilespmem:s22+$0x15010] =	vst v2  }
0x21b: {  	v2 =	vld.idx.msk [tilespmem:v3+s9+$0x0], $0xffff  }
0x21c: {  	v3 =	vadd.s32 s1, v50;
	_ =	sdelay $0x3  }
0x21d: {  	[tilespmem:s22+$0x15020] =	vst v2  }
0x21e: {  	v2 =	vld.idx.msk [tilespmem:v3+s9+$0x0], $0xffff  }
0x21f: {  	v3 =	vadd.s32 s1, v51;
	_ =	sdelay $0x3  }
0x220: {  	[tilespmem:s22+$0x15030] =	vst v2  }
0x221: {  	v2 =	vld.idx.msk [tilespmem:v3+s9+$0x0], $0xffff  }
0x222: {  	v3 =	vadd.s32 s1, v52;
	_ =	sdelay $0x3  }
0x223: {  	[tilespmem:s22+$0x15040] =	vst v2  }
0x224: {  	v2 =	vld.idx.msk [tilespmem:v3+s9+$0x0], $0xffff  }
0x225: {  	v3 =	vadd.s32 s1, v53;
	_ =	sdelay $0x3  }
0x226: {  	[tilespmem:s22+$0x15050] =	vst v2  }
0x227: {  	v2 =	vld.idx.msk [tilespmem:v3+s9+$0x0], $0xffff  }
0x228: {  	v3 =	vadd.s32 s1, v54;
	_ =	sdelay $0x3  }
0x229: {  	[tilespmem:s22+$0x15060] =	vst v2  }
0x22a: {  	p0 =	sne.s32 s21, $0x600;
	v2 =	vld.idx.msk [tilespmem:v3+s9+$0x0], $0xffff  }
.Ltmp3:
0x22b: {  	_ = 	snop;
	(pc) =	sbr.rel @p0 .LBB2_9-.Ltmp3, $2  }
0x22c: {  	_ =	sdelay $0x2  }
0x22d: {  	s21 =	sadd.s32 $0x200, s21;
	s1 =	sadd.s32 $0x1, s1;
	[tilespmem:s22+$0x15070] =	vst v2  }
0x22e: {  	s1 =	smul.u32 $0x26000, s20;
	s19 =	sadd.s32 $0x1, s19  }
0x22f: {  	p0 =	sne.s32 s19, $0x19  }
.Ltmp4:
0x230: {  	s1 =	sadd.s32 s2, s1;
	(pc) =	sbr.rel @p0 .LBB2_2-.Ltmp4, $4  }
0x231: {  	s1 =	sadd.s32 s6, s1  }
0x232: {  	[hbm4b:s1+s10] =	stream.strided.scatter [tilespmem:s14], [sflag:$0x2], $0x9400, s11, s10, $0x38;
	[tilespmem:$0x15400] =	vst v63  }
0x233: {  	s1 =	sadd.s32 $0x25000, s1  }
0x234: {  	[hbm4b:s1+s3] =	stream.linear.scatter [tilespmem:s15], [sflag:$0x2], $0x200, $0x38;
	[tilespmem:$0x15400] =	vst v63  }
0x235: {  	s18 =	sadd.s32 $0x1, s18  }
0x236: {  	_ =	swait.ge [sflag:s16], $0x9600;
	p0 =	sne.s32 s18, s7  }
.Ltmp5:
0x237: {  	[sflag:s16] =	ssyncset.done $0x0;
	(pc) =	sbr.rel @p0 .LBB2_1-.Ltmp5, $4  }
0x238: {  	[sflag:s16] =	ssyncadd.s32 $0xFFFF6A00  }
0x239: {  	_ =	swait.ge [sflag:s17], $0x9600  }
0x23a: {  	[sflag:s17] =	ssyncset.done $0x0  }
0x23b: {  	[sflag:s17] =	ssyncadd.s32 $0xFFFF6A00  }
0x23c: {  	_ =	sfence.sel $0x180000  }
0x23d: {  	[bflag:$0x0] =	sbarrier.arrive $0xFFFF  }
0x23e: {  	_ =	strace $0x90000047  }
0x23f: {  	[bflag:$0x2] =	sbarrier.arrive $0xFFFF  }
0x240: {  	p0 =	sne.s32 s0, $0x0;
	s0 =	rddreg [dreg:$0x2]  }
0x241: {  	s0 =	sadd.s32 @!p0 $0x100000, s0  }
0x242: {  	[sflag:s0] =	ssyncadd.tile.s32 @!p0 $0x1;
	_ =	shalt  }
.Lfunc_end2:
_tile_overlayer_lowered:
.L_overlay_start_2:
0x243: {  	(tag) =	ssettag $0x2  }
0x244: {  	s0 =	rddreg [dreg:$0x0];
	s2 =	stileid.u32  }
0x245: {  	s1 =	rddreg [dreg:$0x1];
	p0 =	sne.s32 s2, $0x0  }
0x246: {  	s3 =	rddreg [dreg:$0x2];
	[bflag:$0x3] =	sbarrier.arrive $0xFFFF;
	s2 =	simm.s32 @!p0 $0x1C03  }
0x247: {  	[timem:s3], [sflag:s2] =	dma.local @!p0 [hbm:s0], s1  }
0x248: {  	s0 =	simm.s32 @!p0 $0x3  }
0x249: {  	_ =	swait.ge @!p0 [sflag:s0], s1  }
0x24a: {  	s1 =	ssub.s32 @!p0 $0x0, s1;
	[sflag:s0] =	ssyncset.done @!p0 $0x0  }
0x24b: {  	[sflag:s0] =	ssyncadd.s32 @!p0 s1  }
0x24c: {  	[bflag:$0x3] =	sbarrier.arrive $0xFFFF  }
0x24d: {  	_ =	shalt  }

</sc_bundles>
